<compile_context>
chip_gen: v7x
topology: tpu7x:2x2x1
jax: 0.10.2.dev20260603
libtpu: 0.0.44.dev20260713+nightly
codegen_flags: <defaults>
</compile_context>

<pallas_src>
import jax
import jax.numpy as jnp
from jax import lax
from jax.experimental import pallas as pl
from jax.experimental.pallas import tpu as pltpu
from jax.experimental.pallas import tpu_sc as plsc

N = 10000
E = 320000
D = 128

NC = 2
NS = 16
NW = NC * NS
EC = E // NW
RW = 80
ROWS_W = EC // RW
NP = 10240
NPT = NP // NS
PB = 2000
PBR = PB // RW
PBV = PB // 16
F32 = jnp.float32



def _prep_body(h_ref, w_ref, att_ref, loop_ref, h1_ref, hl_ref, s1_ref, s2_ref):
    h1 = lax.dot_general(h_ref[...], w_ref[...], (((1,), (1,)), ((), ())),
                         preferred_element_type=F32)
    h1_ref[...] = h1
    hl_ref[...] = jnp.dot(h1, loop_ref[...], preferred_element_type=F32)
    s1_ref[...] = lax.dot_general(h1, att_ref[:, 0:D], (((1,), (1,)), ((), ())),
                                  preferred_element_type=F32)
    s2_ref[...] = lax.dot_general(h1, att_ref[:, D:2 * D], (((1,), (1,)), ((), ())),
                                  preferred_element_type=F32)


def _prep(h, W, att_w, loop_w):
    return pl.pallas_call(
        _prep_body,
        out_shape=[
            jax.ShapeDtypeStruct((N, D), F32),
            jax.ShapeDtypeStruct((N, D), F32),
            jax.ShapeDtypeStruct((N, 1), F32),
            jax.ShapeDtypeStruct((N, 1), F32),
        ],
    )(h, W, att_w, loop_w)


_BE = 4000


def _rh_body(x_ref, wr_ref, att_ref, rh_ref, er_ref):
    rh = lax.dot_general(x_ref[...], wr_ref[...], (((1,), (1,)), ((), ())),
                         preferred_element_type=F32)
    rh_ref[...] = rh
    er_ref[...] = lax.dot_general(rh, att_ref[:, 2 * D:3 * D],
                                  (((1,), (1,)), ((), ())),
                                  preferred_element_type=F32)


def _rh(r_h, Wr, att_w):
    return pl.pallas_call(
        _rh_body,
        grid=(E // _BE,),
        in_specs=[
            pl.BlockSpec((_BE, D), lambda i: (i, 0)),
            pl.BlockSpec((D, D), lambda i: (0, 0)),
            pl.BlockSpec((1, 3 * D), lambda i: (0, 0)),
        ],
        out_specs=[
            pl.BlockSpec((_BE, D), lambda i: (i, 0)),
            pl.BlockSpec((_BE, 1), lambda i: (i, 0)),
        ],
        out_shape=[
            jax.ShapeDtypeStruct((E, D), F32),
            jax.ShapeDtypeStruct((E, 1), F32),
        ],
    )(r_h, Wr, att_w)


_BN = 2000


def _epi_body(aggp_ref, hl_ref, h1_ref, den_ref, o_ref):
    h_new = aggp_ref[0] + aggp_ref[1] + hl_ref[...]
    sel = jnp.where(den_ref[...] > 0, h_new, h1_ref[...])
    o_ref[...] = jnp.maximum(sel, 0.0)


def _epi(aggp, hl, h1, den):
    return pl.pallas_call(
        _epi_body,
        grid=(N // _BN,),
        in_specs=[
            pl.BlockSpec((2, _BN, D), lambda i: (0, i, 0)),
            pl.BlockSpec((_BN, D), lambda i: (i, 0)),
            pl.BlockSpec((_BN, D), lambda i: (i, 0)),
            pl.BlockSpec((_BN, 1), lambda i: (i, 0)),
        ],
        out_specs=pl.BlockSpec((_BN, D), lambda i: (i, 0)),
        out_shape=jax.ShapeDtypeStruct((N, D), F32),
    )(aggp, hl, h1, den)



def _sc_body(src2_h, dst2_h, er_h, s1_h, s2_h, h1_h, rh_h,
             agg_out, den_out,
             exo, srcb2, dstb2, erb, srcq, dstq, alq, mxv, mxm,
             mx_sh, den_sh, agg_sh):
    c = lax.axis_index("c")
    s = lax.axis_index("s")
    wid = c * NS + s
    own = wid * EC
    mir = ((1 - c) * NS + s) * EC
    zv = jnp.zeros((16,), F32)

    def zden_body(i, _):
        erb[pl.ds(i * 16, 16)] = zv
        return 0
    lax.fori_loop(0, NPT // 16, zden_body, 0)
    pltpu.sync_copy(erb.at[pl.ds(0, NPT)], den_sh.at[pl.ds(s * NPT, NPT)])

    def bphase(s1v, s2v, exm):
        pltpu.sync_copy(s1_h, s1v)
        pltpu.sync_copy(s2_h, s2v)
        mx0 = jnp.full((16,), -jnp.inf, F32)

        def b1_chunk(base, ebuf, mx_in):
            def piece(p, mx):
                off = base + p * PB
                pltpu.sync_copy(src2_h.at[pl.ds(off // RW, PBR), :], srcb2)
                pltpu.sync_copy(dst2_h.at[pl.ds(off // RW, PBR), :], dstb2)
                pltpu.sync_copy(er_h.at[pl.ds(off, PB)], erb)

                def row(j, m):
                    for k in range(RW // 16):
                        sl = pl.ds(k * 16, 16)
                        z = (plsc.load_gather(s1v, [srcb2[j, sl]])
                             + plsc.load_gather(s2v, [dstb2[j, sl]])
                             + erb[pl.ds(j * RW + k * 16, 16)])
                        e = jnp.where(z >= 0, z, z * F32(0.01))
                        ebuf[pl.ds(p * PB + j * RW + k * 16, 16)] = e
                        m = jnp.maximum(m, e)
                    return m
                return lax.fori_loop(0, PBR, row, mx)
            return lax.fori_loop(0, EC // PB, piece, mx_in)

        mx = b1_chunk(own, exo, mx0)
        mx = b1_chunk(mir, exm, mx)

        mxv[...] = mx
        pltpu.sync_copy(mxv, mx_sh.at[s])
        plsc.subcore_barrier()
        pltpu.sync_copy(mx_sh, mxm)
        cm = mxm[0, :]
        for i in range(1, NS):
            cm = jnp.maximum(cm, mxm[i, :])
        gmax = jnp.max(cm)

        def b2_chunk(base, ebuf):
            def piece(p, _):
                off = base + p * PB
                pltpu.sync_copy(dst2_h.at[pl.ds(off // RW, PBR), :],
                                dstb2)

                def vec(i, __):
                    sl = pl.ds(p * PB + i * 16, 16)
                    ebuf[sl] = jnp.exp(ebuf[sl] - gmax)
                    return 0
                lax.fori_loop(0, PBV, vec, 0)

                def sc2(j, __):
                    pltpu.sync_copy(ebuf.at[pl.ds(p * PB + j * RW, RW)],
                                    den_sh.at[dstb2.at[j]], add=True)
                    return 0
                lax.fori_loop(0, PBR, sc2, 0)
                return 0
            lax.fori_loop(0, EC // PB, piece, 0)

        b2_chunk(own, exo)
        b2_chunk(mir, exm)

    pl.run_scoped(bphase,
                  pltpu.VMEM((N,), F32),
                  pltpu.VMEM((N,), F32),
                  pltpu.VMEM((EC,), F32))
    plsc.subcore_barrier()

    def foldphase(rdv):
        pltpu.sync_copy(den_sh, rdv)

        def rd_body(i, _):
            sl = pl.ds(i * 16, 16)
            v = rdv[sl]
            rdv[sl] = jnp.where(v > 0, F32(1.0) / v, F32(1.0))
            return 0
        lax.fori_loop(0, NP // 16, rd_body, 0)
        pltpu.sync_copy(den_sh.at[pl.ds(s * NPT, NPT)],
                        den_out.at[c, pl.ds(s * NPT, NPT)])

        def fold_piece(p, _):
            off = own + p * PB
            pltpu.sync_copy(dst2_h.at[pl.ds(off // RW, PBR), :], dstb2)

            def row(j, __):
                for k in range(RW // 16):
                    rd = plsc.load_gather(rdv, [dstb2[j, pl.ds(k * 16, 16)]])
                    sl = pl.ds(p * PB + j * RW + k * 16, 16)
                    exo[sl] = exo[sl] * rd
                return 0
            lax.fori_loop(0, PBR, row, 0)
            return 0
        lax.fori_loop(0, EC // PB, fold_piece, 0)

    pl.run_scoped(foldphase, pltpu.VMEM((NP,), F32))

    def cphase(h1q, rhq):
        def zrow_body(i, _):
            for kk in range(8):
                h1q[i, pl.ds(kk * 16, 16)] = zv
            return 0
        lax.fori_loop(0, RW, zrow_body, 0)

        def zagg_body(j, _):
            pltpu.sync_copy(h1q, agg_sh.at[pl.ds(s * NPT + j * RW, RW), :])
            return 0
        lax.fori_loop(0, NPT // RW, zagg_body, 0)
        plsc.subcore_barrier()

        rowbase = wid * ROWS_W

        def cpiece(r, _):
            erow = own + r * RW
            pltpu.sync_copy(src2_h.at[rowbase + r], srcq)
            pltpu.sync_copy(dst2_h.at[rowbase + r], dstq)
            pltpu.sync_copy(rh_h.at[pl.ds(erow, RW), :], rhq)
            pltpu.sync_copy(h1_h.at[srcq], h1q)

            def edge_body(i, __):
                a = exo[pl.ds(r * RW + i, 16)][0]
                for kk in range(8):
                    sl = pl.ds(kk * 16, 16)
                    rhq[i, sl] = a * (h1q[i, sl] + rhq[i, sl])
                return 0
            lax.fori_loop(0, RW, edge_body, 0)

            pltpu.sync_copy(rhq, agg_sh.at[dstq], add=True)
            return 0
        lax.fori_loop(0, ROWS_W, cpiece, 0)

        plsc.subcore_barrier()
        pltpu.sync_copy(agg_sh.at[pl.ds(s * NPT, NPT), :],
                        agg_out.at[c, pl.ds(s * NPT, NPT), :])

    pl.run_scoped(cphase,
                  pltpu.VMEM((RW, D), F32),
                  pltpu.VMEM((RW, D), F32))


def _sc_edges(src2, dst2, er, s1, s2, h1, rh):
    mesh = plsc.VectorSubcoreMesh(core_axis_name="c", subcore_axis_name="s")
    f = pl.kernel(
        _sc_body, mesh=mesh,
        compiler_params=pltpu.CompilerParams(use_tc_tiling_on_sc=False,
                                             needs_layout_passes=False),
        out_type=[
            jax.ShapeDtypeStruct((NC, NP, D), F32),
            jax.ShapeDtypeStruct((NC, NP), F32),
        ],
        scratch_types=[
            pltpu.VMEM((EC + 16,), F32),
            pltpu.VMEM((PBR, RW), jnp.int32),
            pltpu.VMEM((PBR, RW), jnp.int32),
            pltpu.VMEM((PB,), F32),
            pltpu.VMEM((RW,), jnp.int32),
            pltpu.VMEM((RW,), jnp.int32),
            pltpu.VMEM((RW + 16,), F32),
            pltpu.VMEM((16,), F32),
            pltpu.VMEM((NS, 16), F32),
            pltpu.VMEM_SHARED((NS, 16), F32),
            pltpu.VMEM_SHARED((NP,), F32),
            pltpu.VMEM_SHARED((NP, D), F32),
        ],
    )
    return f(src2, dst2, er, s1, s2, h1, rh)


@jax.jit
def kernel(h, edge_index, r_h, W, Wr, att_w, loop_w):
    src = edge_index[0]
    dst = edge_index[1]
    h1, hl, s1, s2 = _prep(h, W, att_w, loop_w)
    rh, er = _rh(r_h, Wr, att_w)
    src2 = src.reshape(E // RW, RW)
    dst2 = dst.reshape(E // RW, RW)
    aggp, den = _sc_edges(src2, dst2, er.reshape(E),
                          s1.reshape(N), s2.reshape(N), h1, rh)
    out = _epi(aggp, hl, h1, den[0].reshape(NP, 1))
    return out

# --- scband reference (transcript-rebuilt; emitter-appended) ---
"""Pipeline reference for scband-rgat-11605001634348 (READ-ONLY COPY).

The authoritative reference and input builder live on the scoring server;
editing this copy changes nothing except your own understanding.
"""

import jax, jax.numpy as jnp
import numpy as np

N = 10000
E = 320000
D = 128

def _xavier(key, shape, gain):
    fan_in, fan_out = shape[1], shape[0]
    a = gain * np.sqrt(6.0 / (fan_in + fan_out))
    return jax.random.uniform(key, shape, minval=-a, maxval=a, dtype=jnp.float32)

def setup_inputs(seed: int = 0):
    key = jax.random.key(seed)
    ks = jax.random.split(key, 8)
    gain = float(np.sqrt(2.0))
    h = jax.random.normal(ks[0], (N, D), dtype=jnp.float32)
    edge_index = jax.random.randint(ks[1], (2, E), 0, N, dtype=jnp.int32)
    r_h = jax.random.normal(ks[2], (E, D), dtype=jnp.float32)
    W = _xavier(ks[3], (D, D), gain)
    Wr = _xavier(ks[4], (D, D), gain)
    att_w = _xavier(ks[5], (1, 3 * D), gain)
    loop_w = _xavier(ks[6], (D, D), gain)
    return {"h": h, "edge_index": edge_index, "r_h": r_h, "W": W, "Wr": Wr, "att_w": att_w, "loop_w": loop_w}

def reference(h, edge_index, r_h, W, Wr, att_w, loop_w):
    src = edge_index[0]
    dst = edge_index[1]
    h1 = h @ W.T
    rh = r_h @ Wr.T
    z3 = jnp.concatenate([h1[src], h1[dst], rh], axis=1)
    e = jax.nn.leaky_relu(z3 @ att_w.T, negative_slope=0.01)[:, 0]
    emax = jax.ops.segment_max(e, dst, num_segments=N)
    emax_safe = jnp.where(jnp.isfinite(emax), emax, 0.0)
    ex = jnp.exp(e - emax_safe[dst])
    denom = jax.ops.segment_sum(ex, dst, num_segments=N)
    denom_safe = jnp.where(denom > 0, denom, 1.0)
    alpha = ex / denom_safe[dst]
    msg = alpha[:, None] * (h1[src] + rh)
    agg = jax.ops.segment_sum(msg, dst, num_segments=N)
    h_new = agg + h1 @ loop_w
    deg = jax.ops.segment_sum(jnp.ones((E,), jnp.float32), dst, num_segments=N)
    h_out = jnp.where(deg[:, None] > 0, h_new, h1)
    return jax.nn.relu(h_out)

if __name__ == "__main__":
    import jax
    _d = setup_inputs()
    print(jax.jit(kernel)(*tuple(_d.values())))

</pallas_src>

<mosaic_0001>
#map = affine_map<(d0, d1) -> (0, 0)>
#map1 = affine_map<(d0, d1) -> (0)>
#map2 = affine_map<(d0, d1) -> (0, 0, 0)>
module attributes {stable_mosaic.version = 14 : i64} {
  func.func @_sc_body(%arg0: i32, %arg1: i32, %arg2: memref<4000x80xi32, #tpu.memory_space<hbm>>, %arg3: memref<4000x80xi32, #tpu.memory_space<hbm>>, %arg4: memref<320000xf32, #tpu.memory_space<hbm>>, %arg5: memref<10000xf32, #tpu.memory_space<hbm>>, %arg6: memref<10000xf32, #tpu.memory_space<hbm>>, %arg7: memref<10000x128xf32, #tpu.memory_space<hbm>>, %arg8: memref<320000x128xf32, #tpu.memory_space<hbm>>, %arg9: memref<2x10240x128xf32, #tpu.memory_space<hbm>>, %arg10: memref<2x10240xf32, #tpu.memory_space<hbm>>, %arg11: memref<10016xf32, #tpu.memory_space<vmem>>, %arg12: memref<25x80xi32, #tpu.memory_space<vmem>>, %arg13: memref<25x80xi32, #tpu.memory_space<vmem>>, %arg14: memref<2000xf32, #tpu.memory_space<vmem>>, %arg15: memref<80xi32, #tpu.memory_space<vmem>>, %arg16: memref<80xi32, #tpu.memory_space<vmem>>, %arg17: memref<96xf32, #tpu.memory_space<vmem>>, %arg18: memref<16xf32, #tpu.memory_space<vmem>>, %arg19: memref<16x16xf32, #tpu.memory_space<vmem>>, %arg20: memref<16x16xf32, #tpu.memory_space<vmem_shared>>, %arg21: memref<10240xf32, #tpu.memory_space<vmem_shared>>, %arg22: memref<10240x128xf32, #tpu.memory_space<vmem_shared>>) attributes {dimension_semantics = [#tpu.dimension_semantics<core_parallel>, #tpu.dimension_semantics<subcore_parallel>], iteration_bounds = array<i64: 2, 16>, scalar_prefetch = 0 : i64, scratch_operands = 12 : i64, tpu.core_type = #tpu.core_type<sc_vector_subcore>, window_params = [{transform_indices = #map}, {transform_indices = #map}, {transform_indices = #map1}, {transform_indices = #map1}, {transform_indices = #map1}, {transform_indices = #map}, {transform_indices = #map}, {transform_indices = #map2}, {transform_indices = #map}]} {
    %mul3A = arith.constant 16 : i32
    %mul3A_0 = arith.muli %arg0, %mul3A : i32
    %add3A = arith.addi %mul3A_0, %arg1 : i32
    %mul3A_1 = arith.constant 10000 : i32
    %mul3A_2 = arith.muli %add3A, %mul3A_1 : i32
    %sub3A = arith.constant 1 : i32
    %sub3A_3 = arith.subi %sub3A, %arg0 : i32
    %mul3A_4 = arith.constant 16 : i32
    %mul3A_5 = arith.muli %sub3A_3, %mul3A_4 : i32
    %add3A_6 = arith.addi %mul3A_5, %arg1 : i32
    %mul3A_7 = arith.constant 10000 : i32
    %mul3A_8 = arith.muli %add3A_6, %mul3A_7 : i32
    %broadcast_in_dim3A = arith.constant 0.000000e+00 : f32
    %broadcast_in_dim3A_9 = vector.broadcast %broadcast_in_dim3A : f32 to vector<16xf32>
    %scan3A = arith.constant 0 : i32
    %scan3A_10 = arith.constant 0 : i32
    %scan3A_11 = arith.constant 40 : i32
    %scan3A_12 = arith.addi %scan3A_10, %scan3A_11 : i32
    %scan3A_13 = arith.constant 1 : i32
    %scan3A_14 = scf.for %scan3A_18 = %scan3A_10 to %scan3A_12 step %scan3A_13 iter_args(%scan3A_19 = %scan3A) -> (i32)  : i32 {
      %mul3A_20 = arith.constant 16 : i32
      %mul3A_21 = arith.muli %scan3A_18, %mul3A_20 : i32
      %swap3A = arith.index_cast %mul3A_21 : i32 to index
      %swap3A_22 = tpu.vector_load %arg14[%swap3A] {strides = array<i32>} : memref<2000xf32, #tpu.memory_space<vmem>>, vector<16xf32>,
      tpu.vector_store %arg14[%swap3A], %broadcast_in_dim3A_9 {strides = array<i32>} : memref<2000xf32, #tpu.memory_space<vmem>>, vector<16xf32>,
      %scan3A_23 = arith.constant 0 : i32
      scf.yield %scan3A_23 : i32
    }
    %scan3A_15 = arith.constant 40 : i32
    %mul3A_16 = arith.constant 640 : i32
    %mul3A_17 = arith.muli %arg1, %mul3A_16 : i32
    "tpu.region"() ({
      %run_scoped3A = tpu.sem_alloc : memref<!tpu.dma_semaphore, #tpu.memory_space<semaphore_mem>>
      %dma_start3A = arith.constant 0 : i32
      %dma_start3A_18 = tpu.memref_slice %arg14[%dma_start3A] : memref<2000xf32, #tpu.memory_space<vmem>> -> memref<640xf32, #tpu.memory_space<vmem>>
      %dma_start3A_19 = tpu.memref_slice %arg21[%mul3A_17] : memref<10240xf32, #tpu.memory_space<vmem_shared>> -> memref<640xf32, #tpu.memory_space<vmem_shared>>
      %dma_start3A_20 = tpu.memref_slice %arg21[%mul3A_17] : memref<10240xf32, #tpu.memory_space<vmem_shared>> -> memref<640xf32, #tpu.memory_space<vmem_shared>>
      %dma_start3A_21 = arith.constant 0 : i32
      %dma_start3A_22 = tpu.memref_slice %arg14[%dma_start3A_21] : memref<2000xf32, #tpu.memory_space<vmem>> -> memref<640xf32, #tpu.memory_space<vmem>>
      tpu.enqueue_dma source(%dma_start3A_22 : memref<640xf32, #tpu.memory_space<vmem>>) target(%dma_start3A_20 : memref<640xf32, #tpu.memory_space<vmem_shared>>) target_semaphore(%run_scoped3A : memref<!tpu.dma_semaphore, #tpu.memory_space<semaphore_mem>>)
      %dma_wait3A = arith.constant 0 : i32
      %dma_wait3A_23 = tpu.memref_slice %arg14[%dma_wait3A] : memref<2000xf32, #tpu.memory_space<vmem>> -> memref<640xf32, #tpu.memory_space<vmem>>
      %dma_wait3A_24 = tpu.memref_slice %arg21[%mul3A_17] : memref<10240xf32, #tpu.memory_space<vmem_shared>> -> memref<640xf32, #tpu.memory_space<vmem_shared>>
      %dma_wait3A_25 = tpu.memref_slice %arg21[%mul3A_17] : memref<10240xf32, #tpu.memory_space<vmem_shared>> -> memref<640xf32, #tpu.memory_space<vmem_shared>>
      %dma_wait3A_26 = arith.constant 0 : i32
      %dma_wait3A_27 = tpu.memref_slice %arg14[%dma_wait3A_26] : memref<2000xf32, #tpu.memory_space<vmem>> -> memref<640xf32, #tpu.memory_space<vmem>>
      tpu.wait_dma2 semaphore(%run_scoped3A : memref<!tpu.dma_semaphore, #tpu.memory_space<semaphore_mem>>) src(%dma_wait3A_27 : memref<640xf32, #tpu.memory_space<vmem>>) dst(%dma_wait3A_25 : memref<640xf32, #tpu.memory_space<vmem_shared>>)
      tpu.yield
    }) : () -> ()
    "tpu.region"() ({
      %run_scoped3A = memref.alloca() : memref<10000xf32, #tpu.memory_space<vmem>>
      %run_scoped3A_18 = memref.alloca() : memref<10000xf32, #tpu.memory_space<vmem>>
      %run_scoped3A_19 = memref.alloca() : memref<10000xf32, #tpu.memory_space<vmem>>
      "tpu.region"() ({
        %run_scoped3A_130 = tpu.sem_alloc : memref<!tpu.dma_semaphore, #tpu.memory_space<semaphore_mem>>
        tpu.enqueue_dma source(%arg5 : memref<10000xf32, #tpu.memory_space<hbm>>) target(%run_scoped3A : memref<10000xf32, #tpu.memory_space<vmem>>) target_semaphore(%run_scoped3A_130 : memref<!tpu.dma_semaphore, #tpu.memory_space<semaphore_mem>>)
        tpu.wait_dma2 semaphore(%run_scoped3A_130 : memref<!tpu.dma_semaphore, #tpu.memory_space<semaphore_mem>>) src(%arg5 : memref<10000xf32, #tpu.memory_space<hbm>>) dst(%run_scoped3A : memref<10000xf32, #tpu.memory_space<vmem>>)
        tpu.yield
      }) : () -> ()
      "tpu.region"() ({
        %run_scoped3A_130 = tpu.sem_alloc : memref<!tpu.dma_semaphore, #tpu.memory_space<semaphore_mem>>
        tpu.enqueue_dma source(%arg6 : memref<10000xf32, #tpu.memory_space<hbm>>) target(%run_scoped3A_18 : memref<10000xf32, #tpu.memory_space<vmem>>) target_semaphore(%run_scoped3A_130 : memref<!tpu.dma_semaphore, #tpu.memory_space<semaphore_mem>>)
        tpu.wait_dma2 semaphore(%run_scoped3A_130 : memref<!tpu.dma_semaphore, #tpu.memory_space<semaphore_mem>>) src(%arg6 : memref<10000xf32, #tpu.memory_space<hbm>>) dst(%run_scoped3A_18 : memref<10000xf32, #tpu.memory_space<vmem>>)
        tpu.yield
      }) : () -> ()
      %broadcast_in_dim3A_20 = arith.constant 0xFF800000 : f32
      %broadcast_in_dim3A_21 = vector.broadcast %broadcast_in_dim3A_20 : f32 to vector<16xf32>
      %scan3A_22 = arith.constant 0 : i32
      %scan3A_23 = arith.constant 5 : i32
      %scan3A_24 = arith.addi %scan3A_22, %scan3A_23 : i32
      %scan3A_25 = arith.constant 1 : i32
      %scan3A_26 = scf.for %scan3A_130 = %scan3A_22 to %scan3A_24 step %scan3A_25 iter_args(%scan3A_131 = %broadcast_in_dim3A_21) -> (vector<16xf32>)  : i32 {
        %mul3A_132 = arith.constant 2000 : i32
        %mul3A_133 = arith.muli %scan3A_130, %mul3A_132 : i32
        %add3A_134 = arith.addi %mul3A_2, %mul3A_133 : i32
        %jit3A = arith.constant 80 : i32
        %div3A = arith.divsi %add3A_134, %jit3A : i32
        %sign3A = arith.constant 0 : i32
        %sign3A_135 = arith.cmpi sgt, %add3A_134, %sign3A : i32
        %sign3A_136 = arith.extui %sign3A_135 : i1 to i32
        %sign3A_137 = arith.constant 0 : i32
        %sign3A_138 = arith.cmpi slt, %add3A_134, %sign3A_137 : i32
        %sign3A_139 = arith.extui %sign3A_138 : i1 to i32
        %sign3A_140 = arith.subi %sign3A_136, %sign3A_139 : i32
        %sign3A_141 = arith.constant 0 : i32
        %sign3A_142 = arith.cmpi sgt, %jit3A, %sign3A_141 : i32
        %sign3A_143 = arith.extui %sign3A_142 : i1 to i32
        %sign3A_144 = arith.constant 0 : i32
        %sign3A_145 = arith.cmpi slt, %jit3A, %sign3A_144 : i32
        %sign3A_146 = arith.extui %sign3A_145 : i1 to i32
        %sign3A_147 = arith.subi %sign3A_143, %sign3A_146 : i32
        %ne3A = arith.cmpi ne, %sign3A_140, %sign3A_147 : i32
        %rem3A = arith.remsi %add3A_134, %jit3A : i32
        %ne3A_148 = arith.constant 0 : i32
        %ne3A_149 = arith.cmpi ne, %rem3A, %ne3A_148 : i32
        %and3A = arith.andi %ne3A, %ne3A_149 : i1
        %sub3A_150 = arith.constant 1 : i32
        %sub3A_151 = arith.subi %div3A, %sub3A_150 : i32
        %select_n3A = arith.select %and3A, %sub3A_151, %div3A : i32
        "tpu.region"() ({
          %run_scoped3A_182 = tpu.sem_alloc : memref<!tpu.dma_semaphore, #tpu.memory_space<semaphore_mem>>
          %dma_start3A = arith.constant 0 : i32
          %dma_start3A_183 = tpu.memref_slice %arg2[%select_n3A, %dma_start3A] : memref<4000x80xi32, #tpu.memory_space<hbm>> -> memref<25x80xi32, #tpu.memory_space<hbm>>
          %dma_start3A_184 = arith.constant 0 : i32
          %dma_start3A_185 = tpu.memref_slice %arg2[%select_n3A, %dma_start3A_184] : memref<4000x80xi32, #tpu.memory_space<hbm>> -> memref<25x80xi32, #tpu.memory_space<hbm>>
          tpu.enqueue_dma source(%dma_start3A_185 : memref<25x80xi32, #tpu.memory_space<hbm>>) target(%arg12 : memref<25x80xi32, #tpu.memory_space<vmem>>) target_semaphore(%run_scoped3A_182 : memref<!tpu.dma_semaphore, #tpu.memory_space<semaphore_mem>>)
          %dma_wait3A = arith.constant 0 : i32
          %dma_wait3A_186 = tpu.memref_slice %arg2[%select_n3A, %dma_wait3A] : memref<4000x80xi32, #tpu.memory_space<hbm>> -> memref<25x80xi32, #tpu.memory_space<hbm>>
          %dma_wait3A_187 = arith.constant 0 : i32
          %dma_wait3A_188 = tpu.memref_slice %arg2[%select_n3A, %dma_wait3A_187] : memref<4000x80xi32, #tpu.memory_space<hbm>> -> memref<25x80xi32, #tpu.memory_space<hbm>>
          tpu.wait_dma2 semaphore(%run_scoped3A_182 : memref<!tpu.dma_semaphore, #tpu.memory_space<semaphore_mem>>) src(%dma_wait3A_188 : memref<25x80xi32, #tpu.memory_space<hbm>>) dst(%arg12 : memref<25x80xi32, #tpu.memory_space<vmem>>)
          tpu.yield
        }) : () -> ()
        %jit3A_152 = arith.constant 80 : i32
        %div3A_153 = arith.divsi %add3A_134, %jit3A_152 : i32
        %sign3A_154 = arith.constant 0 : i32
        %sign3A_155 = arith.cmpi sgt, %add3A_134, %sign3A_154 : i32
        %sign3A_156 = arith.extui %sign3A_155 : i1 to i32
        %sign3A_157 = arith.constant 0 : i32
        %sign3A_158 = arith.cmpi slt, %add3A_134, %sign3A_157 : i32
        %sign3A_159 = arith.extui %sign3A_158 : i1 to i32
        %sign3A_160 = arith.subi %sign3A_156, %sign3A_159 : i32
        %sign3A_161 = arith.constant 0 : i32
        %sign3A_162 = arith.cmpi sgt, %jit3A_152, %sign3A_161 : i32
        %sign3A_163 = arith.extui %sign3A_162 : i1 to i32
        %sign3A_164 = arith.constant 0 : i32
        %sign3A_165 = arith.cmpi slt, %jit3A_152, %sign3A_164 : i32
        %sign3A_166 = arith.extui %sign3A_165 : i1 to i32
        %sign3A_167 = arith.subi %sign3A_163, %sign3A_166 : i32
        %ne3A_168 = arith.cmpi ne, %sign3A_160, %sign3A_167 : i32
        %rem3A_169 = arith.remsi %add3A_134, %jit3A_152 : i32
        %ne3A_170 = arith.constant 0 : i32
        %ne3A_171 = arith.cmpi ne, %rem3A_169, %ne3A_170 : i32
        %and3A_172 = arith.andi %ne3A_168, %ne3A_171 : i1
        %sub3A_173 = arith.constant 1 : i32
        %sub3A_174 = arith.subi %div3A_153, %sub3A_173 : i32
        %select_n3A_175 = arith.select %and3A_172, %sub3A_174, %div3A_153 : i32
        "tpu.region"() ({
          %run_scoped3A_182 = tpu.sem_alloc : memref<!tpu.dma_semaphore, #tpu.memory_space<semaphore_mem>>
          %dma_start3A = arith.constant 0 : i32
          %dma_start3A_183 = tpu.memref_slice %arg3[%select_n3A_175, %dma_start3A] : memref<4000x80xi32, #tpu.memory_space<hbm>> -> memref<25x80xi32, #tpu.memory_space<hbm>>
          %dma_start3A_184 = arith.constant 0 : i32
          %dma_start3A_185 = tpu.memref_slice %arg3[%select_n3A_175, %dma_start3A_184] : memref<4000x80xi32, #tpu.memory_space<hbm>> -> memref<25x80xi32, #tpu.memory_space<hbm>>
          tpu.enqueue_dma source(%dma_start3A_185 : memref<25x80xi32, #tpu.memory_space<hbm>>) target(%arg13 : memref<25x80xi32, #tpu.memory_space<vmem>>) target_semaphore(%run_scoped3A_182 : memref<!tpu.dma_semaphore, #tpu.memory_space<semaphore_mem>>)
          %dma_wait3A = arith.constant 0 : i32
          %dma_wait3A_186 = tpu.memref_slice %arg3[%select_n3A_175, %dma_wait3A] : memref<4000x80xi32, #tpu.memory_space<hbm>> -> memref<25x80xi32, #tpu.memory_space<hbm>>
          %dma_wait3A_187 = arith.constant 0 : i32
          %dma_wait3A_188 = tpu.memref_slice %arg3[%select_n3A_175, %dma_wait3A_187] : memref<4000x80xi32, #tpu.memory_space<hbm>> -> memref<25x80xi32, #tpu.memory_space<hbm>>
          tpu.wait_dma2 semaphore(%run_scoped3A_182 : memref<!tpu.dma_semaphore, #tpu.memory_space<semaphore_mem>>) src(%dma_wait3A_188 : memref<25x80xi32, #tpu.memory_space<hbm>>) dst(%arg13 : memref<25x80xi32, #tpu.memory_space<vmem>>)
          tpu.yield
        }) : () -> ()
        "tpu.region"() ({
          %run_scoped3A_182 = tpu.sem_alloc : memref<!tpu.dma_semaphore, #tpu.memory_space<semaphore_mem>>
          %dma_start3A = tpu.memref_slice %arg4[%add3A_134] : memref<320000xf32, #tpu.memory_space<hbm>> -> memref<2000xf32, #tpu.memory_space<hbm>>
          %dma_start3A_183 = tpu.memref_slice %arg4[%add3A_134] : memref<320000xf32, #tpu.memory_space<hbm>> -> memref<2000xf32, #tpu.memory_space<hbm>>
          tpu.enqueue_dma source(%dma_start3A_183 : memref<2000xf32, #tpu.memory_space<hbm>>) target(%arg14 : memref<2000xf32, #tpu.memory_space<vmem>>) target_semaphore(%run_scoped3A_182 : memref<!tpu.dma_semaphore, #tpu.memory_space<semaphore_mem>>)
          %dma_wait3A = tpu.memref_slice %arg4[%add3A_134] : memref<320000xf32, #tpu.memory_space<hbm>> -> memref<2000xf32, #tpu.memory_space<hbm>>
          %dma_wait3A_184 = tpu.memref_slice %arg4[%add3A_134] : memref<320000xf32, #tpu.memory_space<hbm>> -> memref<2000xf32, #tpu.memory_space<hbm>>
          tpu.wait_dma2 semaphore(%run_scoped3A_182 : memref<!tpu.dma_semaphore, #tpu.memory_space<semaphore_mem>>) src(%dma_wait3A_184 : memref<2000xf32, #tpu.memory_space<hbm>>) dst(%arg14 : memref<2000xf32, #tpu.memory_space<vmem>>)
          tpu.yield
        }) : () -> ()
        %scan3A_176 = arith.constant 0 : i32
        %scan3A_177 = arith.constant 25 : i32
        %scan3A_178 = arith.addi %scan3A_176, %scan3A_177 : i32
        %scan3A_179 = arith.constant 1 : i32
        %scan3A_180 = scf.for %scan3A_182 = %scan3A_176 to %scan3A_178 step %scan3A_179 iter_args(%scan3A_183 = %scan3A_131) -> (vector<16xf32>)  : i32 {
          %get3A_184 = arith.index_cast %scan3A_182 : i32 to index
          %get3A_185 = arith.constant 0 : index
          %get3A_186 = tpu.vector_load %arg12[%get3A_184, %get3A_185] {strides = array<i32>} : memref<25x80xi32, #tpu.memory_space<vmem>>, vector<16xi32>,
          %gather3A = tpu.vector_load_idx %run_scoped3A[%get3A_186] : memref<10000xf32, #tpu.memory_space<vmem>>[vector<16xi32>], vector<16xf32>,
          %get3A_187 = arith.index_cast %scan3A_182 : i32 to index
          %get3A_188 = arith.constant 0 : index
          %get3A_189 = tpu.vector_load %arg13[%get3A_187, %get3A_188] {strides = array<i32>} : memref<25x80xi32, #tpu.memory_space<vmem>>, vector<16xi32>,
          %gather3A_190 = tpu.vector_load_idx %run_scoped3A_18[%get3A_189] : memref<10000xf32, #tpu.memory_space<vmem>>[vector<16xi32>], vector<16xf32>,
          %add3A_191 = arith.addf %gather3A, %gather3A_190 : vector<16xf32>
          %mul3A_192 = arith.constant 80 : i32
          %mul3A_193 = arith.muli %scan3A_182, %mul3A_192 : i32
          %add3A_194 = arith.constant 0 : i32
          %add3A_195 = arith.addi %mul3A_193, %add3A_194 : i32
          %get3A_196 = arith.index_cast %add3A_195 : i32 to index
          %get3A_197 = tpu.vector_load %arg14[%get3A_196] {strides = array<i32>} : memref<2000xf32, #tpu.memory_space<vmem>>, vector<16xf32>,
          %add3A_198 = arith.addf %add3A_191, %get3A_197 : vector<16xf32>
          %ge3A = arith.constant 0.000000e+00 : f32
          %ge3A_199 = vector.broadcast %ge3A : f32 to vector<16xf32>
          %ge3A_200 = arith.cmpf oge, %add3A_198, %ge3A_199 : vector<16xf32>
          %mul3A_201 = arith.constant 0.00999999977 : f32
          %mul3A_202 = vector.broadcast %mul3A_201 : f32 to vector<16xf32>
          %mul3A_203 = arith.mulf %add3A_198, %mul3A_202 : vector<16xf32>
          %select_n3A_204 = arith.select %ge3A_200, %add3A_198, %mul3A_203 : vector<16xi1>, vector<16xf32>
          %mul3A_205 = arith.constant 2000 : i32
          %mul3A_206 = arith.muli %scan3A_130, %mul3A_205 : i32
          %mul3A_207 = arith.constant 80 : i32
          %mul3A_208 = arith.muli %scan3A_182, %mul3A_207 : i32
          %add3A_209 = arith.addi %mul3A_206, %mul3A_208 : i32
          %add3A_210 = arith.constant 0 : i32
          %add3A_211 = arith.addi %add3A_209, %add3A_210 : i32
          %swap3A_212 = arith.index_cast %add3A_211 : i32 to index
          %swap3A_213 = tpu.vector_load %arg11[%swap3A_212] {strides = array<i32>} : memref<10016xf32, #tpu.memory_space<vmem>>, vector<16xf32>,
          tpu.vector_store %arg11[%swap3A_212], %select_n3A_204 {strides = array<i32>} : memref<10016xf32, #tpu.memory_space<vmem>>, vector<16xf32>,
          %max3A_214 = arith.maximumf %scan3A_183, %select_n3A_204 : vector<16xf32>
          %get3A_215 = arith.index_cast %scan3A_182 : i32 to index
          %get3A_216 = arith.constant 16 : index
          %get3A_217 = tpu.vector_load %arg12[%get3A_215, %get3A_216] {strides = array<i32>} : memref<25x80xi32, #tpu.memory_space<vmem>>, vector<16xi32>,
          %gather3A_218 = tpu.vector_load_idx %run_scoped3A[%get3A_217] : memref<10000xf32, #tpu.memory_space<vmem>>[vector<16xi32>], vector<16xf32>,
          %get3A_219 = arith.index_cast %scan3A_182 : i32 to index
          %get3A_220 = arith.constant 16 : index
          %get3A_221 = tpu.vector_load %arg13[%get3A_219, %get3A_220] {strides = array<i32>} : memref<25x80xi32, #tpu.memory_space<vmem>>, vector<16xi32>,
          %gather3A_222 = tpu.vector_load_idx %run_scoped3A_18[%get3A_221] : memref<10000xf32, #tpu.memory_space<vmem>>[vector<16xi32>], vector<16xf32>,
          %add3A_223 = arith.addf %gather3A_218, %gather3A_222 : vector<16xf32>
          %mul3A_224 = arith.constant 80 : i32
          %mul3A_225 = arith.muli %scan3A_182, %mul3A_224 : i32
          %add3A_226 = arith.constant 16 : i32
          %add3A_227 = arith.addi %mul3A_225, %add3A_226 : i32
          %get3A_228 = arith.index_cast %add3A_227 : i32 to index
          %get3A_229 = tpu.vector_load %arg14[%get3A_228] {strides = array<i32>} : memref<2000xf32, #tpu.memory_space<vmem>>, vector<16xf32>,
          %add3A_230 = arith.addf %add3A_223, %get3A_229 : vector<16xf32>
          %ge3A_231 = arith.constant 0.000000e+00 : f32
          %ge3A_232 = vector.broadcast %ge3A_231 : f32 to vector<16xf32>
          %ge3A_233 = arith.cmpf oge, %add3A_230, %ge3A_232 : vector<16xf32>
          %mul3A_234 = arith.constant 0.00999999977 : f32
          %mul3A_235 = vector.broadcast %mul3A_234 : f32 to vector<16xf32>
          %mul3A_236 = arith.mulf %add3A_230, %mul3A_235 : vector<16xf32>
          %select_n3A_237 = arith.select %ge3A_233, %add3A_230, %mul3A_236 : vector<16xi1>, vector<16xf32>
          %mul3A_238 = arith.constant 2000 : i32
          %mul3A_239 = arith.muli %scan3A_130, %mul3A_238 : i32
          %mul3A_240 = arith.constant 80 : i32
          %mul3A_241 = arith.muli %scan3A_182, %mul3A_240 : i32
          %add3A_242 = arith.addi %mul3A_239, %mul3A_241 : i32
          %add3A_243 = arith.constant 16 : i32
          %add3A_244 = arith.addi %add3A_242, %add3A_243 : i32
          %swap3A_245 = arith.index_cast %add3A_244 : i32 to index
          %swap3A_246 = tpu.vector_load %arg11[%swap3A_245] {strides = array<i32>} : memref<10016xf32, #tpu.memory_space<vmem>>, vector<16xf32>,
          tpu.vector_store %arg11[%swap3A_245], %select_n3A_237 {strides = array<i32>} : memref<10016xf32, #tpu.memory_space<vmem>>, vector<16xf32>,
          %max3A_247 = arith.maximumf %max3A_214, %select_n3A_237 : vector<16xf32>
          %get3A_248 = arith.index_cast %scan3A_182 : i32 to index
          %get3A_249 = arith.constant 32 : index
          %get3A_250 = tpu.vector_load %arg12[%get3A_248, %get3A_249] {strides = array<i32>} : memref<25x80xi32, #tpu.memory_space<vmem>>, vector<16xi32>,
          %gather3A_251 = tpu.vector_load_idx %run_scoped3A[%get3A_250] : memref<10000xf32, #tpu.memory_space<vmem>>[vector<16xi32>], vector<16xf32>,
          %get3A_252 = arith.index_cast %scan3A_182 : i32 to index
          %get3A_253 = arith.constant 32 : index
          %get3A_254 = tpu.vector_load %arg13[%get3A_252, %get3A_253] {strides = array<i32>} : memref<25x80xi32, #tpu.memory_space<vmem>>, vector<16xi32>,
          %gather3A_255 = tpu.vector_load_idx %run_scoped3A_18[%get3A_254] : memref<10000xf32, #tpu.memory_space<vmem>>[vector<16xi32>], vector<16xf32>,
          %add3A_256 = arith.addf %gather3A_251, %gather3A_255 : vector<16xf32>
          %mul3A_257 = arith.constant 80 : i32
          %mul3A_258 = arith.muli %scan3A_182, %mul3A_257 : i32
          %add3A_259 = arith.constant 32 : i32
          %add3A_260 = arith.addi %mul3A_258, %add3A_259 : i32
          %get3A_261 = arith.index_cast %add3A_260 : i32 to index
          %get3A_262 = tpu.vector_load %arg14[%get3A_261] {strides = array<i32>} : memref<2000xf32, #tpu.memory_space<vmem>>, vector<16xf32>,
          %add3A_263 = arith.addf %add3A_256, %get3A_262 : vector<16xf32>
          %ge3A_264 = arith.constant 0.000000e+00 : f32
          %ge3A_265 = vector.broadcast %ge3A_264 : f32 to vector<16xf32>
          %ge3A_266 = arith.cmpf oge, %add3A_263, %ge3A_265 : vector<16xf32>
          %mul3A_267 = arith.constant 0.00999999977 : f32
          %mul3A_268 = vector.broadcast %mul3A_267 : f32 to vector<16xf32>
          %mul3A_269 = arith.mulf %add3A_263, %mul3A_268 : vector<16xf32>
          %select_n3A_270 = arith.select %ge3A_266, %add3A_263, %mul3A_269 : vector<16xi1>, vector<16xf32>
          %mul3A_271 = arith.constant 2000 : i32
          %mul3A_272 = arith.muli %scan3A_130, %mul3A_271 : i32
          %mul3A_273 = arith.constant 80 : i32
          %mul3A_274 = arith.muli %scan3A_182, %mul3A_273 : i32
          %add3A_275 = arith.addi %mul3A_272, %mul3A_274 : i32
          %add3A_276 = arith.constant 32 : i32
          %add3A_277 = arith.addi %add3A_275, %add3A_276 : i32
          %swap3A_278 = arith.index_cast %add3A_277 : i32 to index
          %swap3A_279 = tpu.vector_load %arg11[%swap3A_278] {strides = array<i32>} : memref<10016xf32, #tpu.memory_space<vmem>>, vector<16xf32>,
          tpu.vector_store %arg11[%swap3A_278], %select_n3A_270 {strides = array<i32>} : memref<10016xf32, #tpu.memory_space<vmem>>, vector<16xf32>,
          %max3A_280 = arith.maximumf %max3A_247, %select_n3A_270 : vector<16xf32>
          %get3A_281 = arith.index_cast %scan3A_182 : i32 to index
          %get3A_282 = arith.constant 48 : index
          %get3A_283 = tpu.vector_load %arg12[%get3A_281, %get3A_282] {strides = array<i32>} : memref<25x80xi32, #tpu.memory_space<vmem>>, vector<16xi32>,
          %gather3A_284 = tpu.vector_load_idx %run_scoped3A[%get3A_283] : memref<10000xf32, #tpu.memory_space<vmem>>[vector<16xi32>], vector<16xf32>,
          %get3A_285 = arith.index_cast %scan3A_182 : i32 to index
          %get3A_286 = arith.constant 48 : index
          %get3A_287 = tpu.vector_load %arg13[%get3A_285, %get3A_286] {strides = array<i32>} : memref<25x80xi32, #tpu.memory_space<vmem>>, vector<16xi32>,
          %gather3A_288 = tpu.vector_load_idx %run_scoped3A_18[%get3A_287] : memref<10000xf32, #tpu.memory_space<vmem>>[vector<16xi32>], vector<16xf32>,
          %add3A_289 = arith.addf %gather3A_284, %gather3A_288 : vector<16xf32>
          %mul3A_290 = arith.constant 80 : i32
          %mul3A_291 = arith.muli %scan3A_182, %mul3A_290 : i32
          %add3A_292 = arith.constant 48 : i32
          %add3A_293 = arith.addi %mul3A_291, %add3A_292 : i32
          %get3A_294 = arith.index_cast %add3A_293 : i32 to index
          %get3A_295 = tpu.vector_load %arg14[%get3A_294] {strides = array<i32>} : memref<2000xf32, #tpu.memory_space<vmem>>, vector<16xf32>,
          %add3A_296 = arith.addf %add3A_289, %get3A_295 : vector<16xf32>
          %ge3A_297 = arith.constant 0.000000e+00 : f32
          %ge3A_298 = vector.broadcast %ge3A_297 : f32 to vector<16xf32>
          %ge3A_299 = arith.cmpf oge, %add3A_296, %ge3A_298 : vector<16xf32>
          %mul3A_300 = arith.constant 0.00999999977 : f32
          %mul3A_301 = vector.broadcast %mul3A_300 : f32 to vector<16xf32>
          %mul3A_302 = arith.mulf %add3A_296, %mul3A_301 : vector<16xf32>
          %select_n3A_303 = arith.select %ge3A_299, %add3A_296, %mul3A_302 : vector<16xi1>, vector<16xf32>
          %mul3A_304 = arith.constant 2000 : i32
          %mul3A_305 = arith.muli %scan3A_130, %mul3A_304 : i32
          %mul3A_306 = arith.constant 80 : i32
          %mul3A_307 = arith.muli %scan3A_182, %mul3A_306 : i32
          %add3A_308 = arith.addi %mul3A_305, %mul3A_307 : i32
          %add3A_309 = arith.constant 48 : i32
          %add3A_310 = arith.addi %add3A_308, %add3A_309 : i32
          %swap3A_311 = arith.index_cast %add3A_310 : i32 to index
          %swap3A_312 = tpu.vector_load %arg11[%swap3A_311] {strides = array<i32>} : memref<10016xf32, #tpu.memory_space<vmem>>, vector<16xf32>,
          tpu.vector_store %arg11[%swap3A_311], %select_n3A_303 {strides = array<i32>} : memref<10016xf32, #tpu.memory_space<vmem>>, vector<16xf32>,
          %max3A_313 = arith.maximumf %max3A_280, %select_n3A_303 : vector<16xf32>
          %get3A_314 = arith.index_cast %scan3A_182 : i32 to index
          %get3A_315 = arith.constant 64 : index
          %get3A_316 = tpu.vector_load %arg12[%get3A_314, %get3A_315] {strides = array<i32>} : memref<25x80xi32, #tpu.memory_space<vmem>>, vector<16xi32>,
          %gather3A_317 = tpu.vector_load_idx %run_scoped3A[%get3A_316] : memref<10000xf32, #tpu.memory_space<vmem>>[vector<16xi32>], vector<16xf32>,
          %get3A_318 = arith.index_cast %scan3A_182 : i32 to index
          %get3A_319 = arith.constant 64 : index
          %get3A_320 = tpu.vector_load %arg13[%get3A_318, %get3A_319] {strides = array<i32>} : memref<25x80xi32, #tpu.memory_space<vmem>>, vector<16xi32>,
          %gather3A_321 = tpu.vector_load_idx %run_scoped3A_18[%get3A_320] : memref<10000xf32, #tpu.memory_space<vmem>>[vector<16xi32>], vector<16xf32>,
          %add3A_322 = arith.addf %gather3A_317, %gather3A_321 : vector<16xf32>
          %mul3A_323 = arith.constant 80 : i32
          %mul3A_324 = arith.muli %scan3A_182, %mul3A_323 : i32
          %add3A_325 = arith.constant 64 : i32
          %add3A_326 = arith.addi %mul3A_324, %add3A_325 : i32
          %get3A_327 = arith.index_cast %add3A_326 : i32 to index
          %get3A_328 = tpu.vector_load %arg14[%get3A_327] {strides = array<i32>} : memref<2000xf32, #tpu.memory_space<vmem>>, vector<16xf32>,
          %add3A_329 = arith.addf %add3A_322, %get3A_328 : vector<16xf32>
          %ge3A_330 = arith.constant 0.000000e+00 : f32
          %ge3A_331 = vector.broadcast %ge3A_330 : f32 to vector<16xf32>
          %ge3A_332 = arith.cmpf oge, %add3A_329, %ge3A_331 : vector<16xf32>
          %mul3A_333 = arith.constant 0.00999999977 : f32
          %mul3A_334 = vector.broadcast %mul3A_333 : f32 to vector<16xf32>
          %mul3A_335 = arith.mulf %add3A_329, %mul3A_334 : vector<16xf32>
          %select_n3A_336 = arith.select %ge3A_332, %add3A_329, %mul3A_335 : vector<16xi1>, vector<16xf32>
          %mul3A_337 = arith.constant 2000 : i32
          %mul3A_338 = arith.muli %scan3A_130, %mul3A_337 : i32
          %mul3A_339 = arith.constant 80 : i32
          %mul3A_340 = arith.muli %scan3A_182, %mul3A_339 : i32
          %add3A_341 = arith.addi %mul3A_338, %mul3A_340 : i32
          %add3A_342 = arith.constant 64 : i32
          %add3A_343 = arith.addi %add3A_341, %add3A_342 : i32
          %swap3A_344 = arith.index_cast %add3A_343 : i32 to index
          %swap3A_345 = tpu.vector_load %arg11[%swap3A_344] {strides = array<i32>} : memref<10016xf32, #tpu.memory_space<vmem>>, vector<16xf32>,
          tpu.vector_store %arg11[%swap3A_344], %select_n3A_336 {strides = array<i32>} : memref<10016xf32, #tpu.memory_space<vmem>>, vector<16xf32>,
          %max3A_346 = arith.maximumf %max3A_313, %select_n3A_336 : vector<16xf32>
          scf.yield %max3A_346 : vector<16xf32>
        }
        %scan3A_181 = arith.constant 25 : i32
        scf.yield %scan3A_180 : vector<16xf32>
      }
      %scan3A_27 = arith.constant 5 : i32
      %scan3A_28 = arith.constant 0 : i32
      %scan3A_29 = arith.constant 5 : i32
      %scan3A_30 = arith.addi %scan3A_28, %scan3A_29 : i32
      %scan3A_31 = arith.constant 1 : i32
      %scan3A_32 = scf.for %scan3A_130 = %scan3A_28 to %scan3A_30 step %scan3A_31 iter_args(%scan3A_131 = %scan3A_26) -> (vector<16xf32>)  : i32 {
        %mul3A_132 = arith.constant 2000 : i32
        %mul3A_133 = arith.muli %scan3A_130, %mul3A_132 : i32
        %add3A_134 = arith.addi %mul3A_8, %mul3A_133 : i32
        %jit3A = arith.constant 80 : i32
        %div3A = arith.divsi %add3A_134, %jit3A : i32
        %sign3A = arith.constant 0 : i32
        %sign3A_135 = arith.cmpi sgt, %add3A_134, %sign3A : i32
        %sign3A_136 = arith.extui %sign3A_135 : i1 to i32
        %sign3A_137 = arith.constant 0 : i32
        %sign3A_138 = arith.cmpi slt, %add3A_134, %sign3A_137 : i32
        %sign3A_139 = arith.extui %sign3A_138 : i1 to i32
        %sign3A_140 = arith.subi %sign3A_136, %sign3A_139 : i32
        %sign3A_141 = arith.constant 0 : i32
        %sign3A_142 = arith.cmpi sgt, %jit3A, %sign3A_141 : i32
        %sign3A_143 = arith.extui %sign3A_142 : i1 to i32
        %sign3A_144 = arith.constant 0 : i32
        %sign3A_145 = arith.cmpi slt, %jit3A, %sign3A_144 : i32
        %sign3A_146 = arith.extui %sign3A_145 : i1 to i32
        %sign3A_147 = arith.subi %sign3A_143, %sign3A_146 : i32
        %ne3A = arith.cmpi ne, %sign3A_140, %sign3A_147 : i32
        %rem3A = arith.remsi %add3A_134, %jit3A : i32
        %ne3A_148 = arith.constant 0 : i32
        %ne3A_149 = arith.cmpi ne, %rem3A, %ne3A_148 : i32
        %and3A = arith.andi %ne3A, %ne3A_149 : i1
        %sub3A_150 = arith.constant 1 : i32
        %sub3A_151 = arith.subi %div3A, %sub3A_150 : i32
        %select_n3A = arith.select %and3A, %sub3A_151, %div3A : i32
        "tpu.region"() ({
          %run_scoped3A_182 = tpu.sem_alloc : memref<!tpu.dma_semaphore, #tpu.memory_space<semaphore_mem>>
          %dma_start3A = arith.constant 0 : i32
          %dma_start3A_183 = tpu.memref_slice %arg2[%select_n3A, %dma_start3A] : memref<4000x80xi32, #tpu.memory_space<hbm>> -> memref<25x80xi32, #tpu.memory_space<hbm>>
          %dma_start3A_184 = arith.constant 0 : i32
          %dma_start3A_185 = tpu.memref_slice %arg2[%select_n3A, %dma_start3A_184] : memref<4000x80xi32, #tpu.memory_space<hbm>> -> memref<25x80xi32, #tpu.memory_space<hbm>>
          tpu.enqueue_dma source(%dma_start3A_185 : memref<25x80xi32, #tpu.memory_space<hbm>>) target(%arg12 : memref<25x80xi32, #tpu.memory_space<vmem>>) target_semaphore(%run_scoped3A_182 : memref<!tpu.dma_semaphore, #tpu.memory_space<semaphore_mem>>)
          %dma_wait3A = arith.constant 0 : i32
          %dma_wait3A_186 = tpu.memref_slice %arg2[%select_n3A, %dma_wait3A] : memref<4000x80xi32, #tpu.memory_space<hbm>> -> memref<25x80xi32, #tpu.memory_space<hbm>>
          %dma_wait3A_187 = arith.constant 0 : i32
          %dma_wait3A_188 = tpu.memref_slice %arg2[%select_n3A, %dma_wait3A_187] : memref<4000x80xi32, #tpu.memory_space<hbm>> -> memref<25x80xi32, #tpu.memory_space<hbm>>
          tpu.wait_dma2 semaphore(%run_scoped3A_182 : memref<!tpu.dma_semaphore, #tpu.memory_space<semaphore_mem>>) src(%dma_wait3A_188 : memref<25x80xi32, #tpu.memory_space<hbm>>) dst(%arg12 : memref<25x80xi32, #tpu.memory_space<vmem>>)
          tpu.yield
        }) : () -> ()
        %jit3A_152 = arith.constant 80 : i32
        %div3A_153 = arith.divsi %add3A_134, %jit3A_152 : i32
        %sign3A_154 = arith.constant 0 : i32
        %sign3A_155 = arith.cmpi sgt, %add3A_134, %sign3A_154 : i32
        %sign3A_156 = arith.extui %sign3A_155 : i1 to i32
        %sign3A_157 = arith.constant 0 : i32
        %sign3A_158 = arith.cmpi slt, %add3A_134, %sign3A_157 : i32
        %sign3A_159 = arith.extui %sign3A_158 : i1 to i32
        %sign3A_160 = arith.subi %sign3A_156, %sign3A_159 : i32
        %sign3A_161 = arith.constant 0 : i32
        %sign3A_162 = arith.cmpi sgt, %jit3A_152, %sign3A_161 : i32
        %sign3A_163 = arith.extui %sign3A_162 : i1 to i32
        %sign3A_164 = arith.constant 0 : i32
        %sign3A_165 = arith.cmpi slt, %jit3A_152, %sign3A_164 : i32
        %sign3A_166 = arith.extui %sign3A_165 : i1 to i32
        %sign3A_167 = arith.subi %sign3A_163, %sign3A_166 : i32
        %ne3A_168 = arith.cmpi ne, %sign3A_160, %sign3A_167 : i32
        %rem3A_169 = arith.remsi %add3A_134, %jit3A_152 : i32
        %ne3A_170 = arith.constant 0 : i32
        %ne3A_171 = arith.cmpi ne, %rem3A_169, %ne3A_170 : i32
        %and3A_172 = arith.andi %ne3A_168, %ne3A_171 : i1
        %sub3A_173 = arith.constant 1 : i32
        %sub3A_174 = arith.subi %div3A_153, %sub3A_173 : i32
        %select_n3A_175 = arith.select %and3A_172, %sub3A_174, %div3A_153 : i32
        "tpu.region"() ({
          %run_scoped3A_182 = tpu.sem_alloc : memref<!tpu.dma_semaphore, #tpu.memory_space<semaphore_mem>>
          %dma_start3A = arith.constant 0 : i32
          %dma_start3A_183 = tpu.memref_slice %arg3[%select_n3A_175, %dma_start3A] : memref<4000x80xi32, #tpu.memory_space<hbm>> -> memref<25x80xi32, #tpu.memory_space<hbm>>
          %dma_start3A_184 = arith.constant 0 : i32
          %dma_start3A_185 = tpu.memref_slice %arg3[%select_n3A_175, %dma_start3A_184] : memref<4000x80xi32, #tpu.memory_space<hbm>> -> memref<25x80xi32, #tpu.memory_space<hbm>>
          tpu.enqueue_dma source(%dma_start3A_185 : memref<25x80xi32, #tpu.memory_space<hbm>>) target(%arg13 : memref<25x80xi32, #tpu.memory_space<vmem>>) target_semaphore(%run_scoped3A_182 : memref<!tpu.dma_semaphore, #tpu.memory_space<semaphore_mem>>)
          %dma_wait3A = arith.constant 0 : i32
          %dma_wait3A_186 = tpu.memref_slice %arg3[%select_n3A_175, %dma_wait3A] : memref<4000x80xi32, #tpu.memory_space<hbm>> -> memref<25x80xi32, #tpu.memory_space<hbm>>
          %dma_wait3A_187 = arith.constant 0 : i32
          %dma_wait3A_188 = tpu.memref_slice %arg3[%select_n3A_175, %dma_wait3A_187] : memref<4000x80xi32, #tpu.memory_space<hbm>> -> memref<25x80xi32, #tpu.memory_space<hbm>>
          tpu.wait_dma2 semaphore(%run_scoped3A_182 : memref<!tpu.dma_semaphore, #tpu.memory_space<semaphore_mem>>) src(%dma_wait3A_188 : memref<25x80xi32, #tpu.memory_space<hbm>>) dst(%arg13 : memref<25x80xi32, #tpu.memory_space<vmem>>)
          tpu.yield
        }) : () -> ()
        "tpu.region"() ({
          %run_scoped3A_182 = tpu.sem_alloc : memref<!tpu.dma_semaphore, #tpu.memory_space<semaphore_mem>>
          %dma_start3A = tpu.memref_slice %arg4[%add3A_134] : memref<320000xf32, #tpu.memory_space<hbm>> -> memref<2000xf32, #tpu.memory_space<hbm>>
          %dma_start3A_183 = tpu.memref_slice %arg4[%add3A_134] : memref<320000xf32, #tpu.memory_space<hbm>> -> memref<2000xf32, #tpu.memory_space<hbm>>
          tpu.enqueue_dma source(%dma_start3A_183 : memref<2000xf32, #tpu.memory_space<hbm>>) target(%arg14 : memref<2000xf32, #tpu.memory_space<vmem>>) target_semaphore(%run_scoped3A_182 : memref<!tpu.dma_semaphore, #tpu.memory_space<semaphore_mem>>)
          %dma_wait3A = tpu.memref_slice %arg4[%add3A_134] : memref<320000xf32, #tpu.memory_space<hbm>> -> memref<2000xf32, #tpu.memory_space<hbm>>
          %dma_wait3A_184 = tpu.memref_slice %arg4[%add3A_134] : memref<320000xf32, #tpu.memory_space<hbm>> -> memref<2000xf32, #tpu.memory_space<hbm>>
          tpu.wait_dma2 semaphore(%run_scoped3A_182 : memref<!tpu.dma_semaphore, #tpu.memory_space<semaphore_mem>>) src(%dma_wait3A_184 : memref<2000xf32, #tpu.memory_space<hbm>>) dst(%arg14 : memref<2000xf32, #tpu.memory_space<vmem>>)
          tpu.yield
        }) : () -> ()
        %scan3A_176 = arith.constant 0 : i32
        %scan3A_177 = arith.constant 25 : i32
        %scan3A_178 = arith.addi %scan3A_176, %scan3A_177 : i32
        %scan3A_179 = arith.constant 1 : i32
        %scan3A_180 = scf.for %scan3A_182 = %scan3A_176 to %scan3A_178 step %scan3A_179 iter_args(%scan3A_183 = %scan3A_131) -> (vector<16xf32>)  : i32 {
          %get3A_184 = arith.index_cast %scan3A_182 : i32 to index
          %get3A_185 = arith.constant 0 : index
          %get3A_186 = tpu.vector_load %arg12[%get3A_184, %get3A_185] {strides = array<i32>} : memref<25x80xi32, #tpu.memory_space<vmem>>, vector<16xi32>,
          %gather3A = tpu.vector_load_idx %run_scoped3A[%get3A_186] : memref<10000xf32, #tpu.memory_space<vmem>>[vector<16xi32>], vector<16xf32>,
          %get3A_187 = arith.index_cast %scan3A_182 : i32 to index
          %get3A_188 = arith.constant 0 : index
          %get3A_189 = tpu.vector_load %arg13[%get3A_187, %get3A_188] {strides = array<i32>} : memref<25x80xi32, #tpu.memory_space<vmem>>, vector<16xi32>,
          %gather3A_190 = tpu.vector_load_idx %run_scoped3A_18[%get3A_189] : memref<10000xf32, #tpu.memory_space<vmem>>[vector<16xi32>], vector<16xf32>,
          %add3A_191 = arith.addf %gather3A, %gather3A_190 : vector<16xf32>
          %mul3A_192 = arith.constant 80 : i32
          %mul3A_193 = arith.muli %scan3A_182, %mul3A_192 : i32
          %add3A_194 = arith.constant 0 : i32
          %add3A_195 = arith.addi %mul3A_193, %add3A_194 : i32
          %get3A_196 = arith.index_cast %add3A_195 : i32 to index
          %get3A_197 = tpu.vector_load %arg14[%get3A_196] {strides = array<i32>} : memref<2000xf32, #tpu.memory_space<vmem>>, vector<16xf32>,
          %add3A_198 = arith.addf %add3A_191, %get3A_197 : vector<16xf32>
          %ge3A = arith.constant 0.000000e+00 : f32
          %ge3A_199 = vector.broadcast %ge3A : f32 to vector<16xf32>
          %ge3A_200 = arith.cmpf oge, %add3A_198, %ge3A_199 : vector<16xf32>
          %mul3A_201 = arith.constant 0.00999999977 : f32
          %mul3A_202 = vector.broadcast %mul3A_201 : f32 to vector<16xf32>
          %mul3A_203 = arith.mulf %add3A_198, %mul3A_202 : vector<16xf32>
          %select_n3A_204 = arith.select %ge3A_200, %add3A_198, %mul3A_203 : vector<16xi1>, vector<16xf32>
          %mul3A_205 = arith.constant 2000 : i32
          %mul3A_206 = arith.muli %scan3A_130, %mul3A_205 : i32
          %mul3A_207 = arith.constant 80 : i32
          %mul3A_208 = arith.muli %scan3A_182, %mul3A_207 : i32
          %add3A_209 = arith.addi %mul3A_206, %mul3A_208 : i32
          %add3A_210 = arith.constant 0 : i32
          %add3A_211 = arith.addi %add3A_209, %add3A_210 : i32
          %swap3A_212 = arith.index_cast %add3A_211 : i32 to index
          %swap3A_213 = tpu.vector_load %run_scoped3A_19[%swap3A_212] {strides = array<i32>} : memref<10000xf32, #tpu.memory_space<vmem>>, vector<16xf32>,
          tpu.vector_store %run_scoped3A_19[%swap3A_212], %select_n3A_204 {strides = array<i32>} : memref<10000xf32, #tpu.memory_space<vmem>>, vector<16xf32>,
          %max3A_214 = arith.maximumf %scan3A_183, %select_n3A_204 : vector<16xf32>
          %get3A_215 = arith.index_cast %scan3A_182 : i32 to index
          %get3A_216 = arith.constant 16 : index
          %get3A_217 = tpu.vector_load %arg12[%get3A_215, %get3A_216] {strides = array<i32>} : memref<25x80xi32, #tpu.memory_space<vmem>>, vector<16xi32>,
          %gather3A_218 = tpu.vector_load_idx %run_scoped3A[%get3A_217] : memref<10000xf32, #tpu.memory_space<vmem>>[vector<16xi32>], vector<16xf32>,
          %get3A_219 = arith.index_cast %scan3A_182 : i32 to index
          %get3A_220 = arith.constant 16 : index
          %get3A_221 = tpu.vector_load %arg13[%get3A_219, %get3A_220] {strides = array<i32>} : memref<25x80xi32, #tpu.memory_space<vmem>>, vector<16xi32>,
          %gather3A_222 = tpu.vector_load_idx %run_scoped3A_18[%get3A_221] : memref<10000xf32, #tpu.memory_space<vmem>>[vector<16xi32>], vector<16xf32>,
          %add3A_223 = arith.addf %gather3A_218, %gather3A_222 : vector<16xf32>
          %mul3A_224 = arith.constant 80 : i32
          %mul3A_225 = arith.muli %scan3A_182, %mul3A_224 : i32
          %add3A_226 = arith.constant 16 : i32
          %add3A_227 = arith.addi %mul3A_225, %add3A_226 : i32
          %get3A_228 = arith.index_cast %add3A_227 : i32 to index
          %get3A_229 = tpu.vector_load %arg14[%get3A_228] {strides = array<i32>} : memref<2000xf32, #tpu.memory_space<vmem>>, vector<16xf32>,
          %add3A_230 = arith.addf %add3A_223, %get3A_229 : vector<16xf32>
          %ge3A_231 = arith.constant 0.000000e+00 : f32
          %ge3A_232 = vector.broadcast %ge3A_231 : f32 to vector<16xf32>
          %ge3A_233 = arith.cmpf oge, %add3A_230, %ge3A_232 : vector<16xf32>
          %mul3A_234 = arith.constant 0.00999999977 : f32
          %mul3A_235 = vector.broadcast %mul3A_234 : f32 to vector<16xf32>
          %mul3A_236 = arith.mulf %add3A_230, %mul3A_235 : vector<16xf32>
          %select_n3A_237 = arith.select %ge3A_233, %add3A_230, %mul3A_236 : vector<16xi1>, vector<16xf32>
          %mul3A_238 = arith.constant 2000 : i32
          %mul3A_239 = arith.muli %scan3A_130, %mul3A_238 : i32
          %mul3A_240 = arith.constant 80 : i32
          %mul3A_241 = arith.muli %scan3A_182, %mul3A_240 : i32
          %add3A_242 = arith.addi %mul3A_239, %mul3A_241 : i32
          %add3A_243 = arith.constant 16 : i32
          %add3A_244 = arith.addi %add3A_242, %add3A_243 : i32
          %swap3A_245 = arith.index_cast %add3A_244 : i32 to index
          %swap3A_246 = tpu.vector_load %run_scoped3A_19[%swap3A_245] {strides = array<i32>} : memref<10000xf32, #tpu.memory_space<vmem>>, vector<16xf32>,
          tpu.vector_store %run_scoped3A_19[%swap3A_245], %select_n3A_237 {strides = array<i32>} : memref<10000xf32, #tpu.memory_space<vmem>>, vector<16xf32>,
          %max3A_247 = arith.maximumf %max3A_214, %select_n3A_237 : vector<16xf32>
          %get3A_248 = arith.index_cast %scan3A_182 : i32 to index
          %get3A_249 = arith.constant 32 : index
          %get3A_250 = tpu.vector_load %arg12[%get3A_248, %get3A_249] {strides = array<i32>} : memref<25x80xi32, #tpu.memory_space<vmem>>, vector<16xi32>,
          %gather3A_251 = tpu.vector_load_idx %run_scoped3A[%get3A_250] : memref<10000xf32, #tpu.memory_space<vmem>>[vector<16xi32>], vector<16xf32>,
          %get3A_252 = arith.index_cast %scan3A_182 : i32 to index
          %get3A_253 = arith.constant 32 : index
          %get3A_254 = tpu.vector_load %arg13[%get3A_252, %get3A_253] {strides = array<i32>} : memref<25x80xi32, #tpu.memory_space<vmem>>, vector<16xi32>,
          %gather3A_255 = tpu.vector_load_idx %run_scoped3A_18[%get3A_254] : memref<10000xf32, #tpu.memory_space<vmem>>[vector<16xi32>], vector<16xf32>,
          %add3A_256 = arith.addf %gather3A_251, %gather3A_255 : vector<16xf32>
          %mul3A_257 = arith.constant 80 : i32
          %mul3A_258 = arith.muli %scan3A_182, %mul3A_257 : i32
          %add3A_259 = arith.constant 32 : i32
          %add3A_260 = arith.addi %mul3A_258, %add3A_259 : i32
          %get3A_261 = arith.index_cast %add3A_260 : i32 to index
          %get3A_262 = tpu.vector_load %arg14[%get3A_261] {strides = array<i32>} : memref<2000xf32, #tpu.memory_space<vmem>>, vector<16xf32>,
          %add3A_263 = arith.addf %add3A_256, %get3A_262 : vector<16xf32>
          %ge3A_264 = arith.constant 0.000000e+00 : f32
          %ge3A_265 = vector.broadcast %ge3A_264 : f32 to vector<16xf32>
          %ge3A_266 = arith.cmpf oge, %add3A_263, %ge3A_265 : vector<16xf32>
          %mul3A_267 = arith.constant 0.00999999977 : f32
          %mul3A_268 = vector.broadcast %mul3A_267 : f32 to vector<16xf32>
          %mul3A_269 = arith.mulf %add3A_263, %mul3A_268 : vector<16xf32>
          %select_n3A_270 = arith.select %ge3A_266, %add3A_263, %mul3A_269 : vector<16xi1>, vector<16xf32>
          %mul3A_271 = arith.constant 2000 : i32
          %mul3A_272 = arith.muli %scan3A_130, %mul3A_271 : i32
          %mul3A_273 = arith.constant 80 : i32
          %mul3A_274 = arith.muli %scan3A_182, %mul3A_273 : i32
          %add3A_275 = arith.addi %mul3A_272, %mul3A_274 : i32
          %add3A_276 = arith.constant 32 : i32
          %add3A_277 = arith.addi %add3A_275, %add3A_276 : i32
          %swap3A_278 = arith.index_cast %add3A_277 : i32 to index
          %swap3A_279 = tpu.vector_load %run_scoped3A_19[%swap3A_278] {strides = array<i32>} : memref<10000xf32, #tpu.memory_space<vmem>>, vector<16xf32>,
          tpu.vector_store %run_scoped3A_19[%swap3A_278], %select_n3A_270 {strides = array<i32>} : memref<10000xf32, #tpu.memory_space<vmem>>, vector<16xf32>,
          %max3A_280 = arith.maximumf %max3A_247, %select_n3A_270 : vector<16xf32>
          %get3A_281 = arith.index_cast %scan3A_182 : i32 to index
          %get3A_282 = arith.constant 48 : index
          %get3A_283 = tpu.vector_load %arg12[%get3A_281, %get3A_282] {strides = array<i32>} : memref<25x80xi32, #tpu.memory_space<vmem>>, vector<16xi32>,
          %gather3A_284 = tpu.vector_load_idx %run_scoped3A[%get3A_283] : memref<10000xf32, #tpu.memory_space<vmem>>[vector<16xi32>], vector<16xf32>,
          %get3A_285 = arith.index_cast %scan3A_182 : i32 to index
          %get3A_286 = arith.constant 48 : index
          %get3A_287 = tpu.vector_load %arg13[%get3A_285, %get3A_286] {strides = array<i32>} : memref<25x80xi32, #tpu.memory_space<vmem>>, vector<16xi32>,
          %gather3A_288 = tpu.vector_load_idx %run_scoped3A_18[%get3A_287] : memref<10000xf32, #tpu.memory_space<vmem>>[vector<16xi32>], vector<16xf32>,
          %add3A_289 = arith.addf %gather3A_284, %gather3A_288 : vector<16xf32>
          %mul3A_290 = arith.constant 80 : i32
          %mul3A_291 = arith.muli %scan3A_182, %mul3A_290 : i32
          %add3A_292 = arith.constant 48 : i32
          %add3A_293 = arith.addi %mul3A_291, %add3A_292 : i32
          %get3A_294 = arith.index_cast %add3A_293 : i32 to index
          %get3A_295 = tpu.vector_load %arg14[%get3A_294] {strides = array<i32>} : memref<2000xf32, #tpu.memory_space<vmem>>, vector<16xf32>,
          %add3A_296 = arith.addf %add3A_289, %get3A_295 : vector<16xf32>
          %ge3A_297 = arith.constant 0.000000e+00 : f32
          %ge3A_298 = vector.broadcast %ge3A_297 : f32 to vector<16xf32>
          %ge3A_299 = arith.cmpf oge, %add3A_296, %ge3A_298 : vector<16xf32>
          %mul3A_300 = arith.constant 0.00999999977 : f32
          %mul3A_301 = vector.broadcast %mul3A_300 : f32 to vector<16xf32>
          %mul3A_302 = arith.mulf %add3A_296, %mul3A_301 : vector<16xf32>
          %select_n3A_303 = arith.select %ge3A_299, %add3A_296, %mul3A_302 : vector<16xi1>, vector<16xf32>
          %mul3A_304 = arith.constant 2000 : i32
          %mul3A_305 = arith.muli %scan3A_130, %mul3A_304 : i32
          %mul3A_306 = arith.constant 80 : i32
          %mul3A_307 = arith.muli %scan3A_182, %mul3A_306 : i32
          %add3A_308 = arith.addi %mul3A_305, %mul3A_307 : i32
          %add3A_309 = arith.constant 48 : i32
          %add3A_310 = arith.addi %add3A_308, %add3A_309 : i32
          %swap3A_311 = arith.index_cast %add3A_310 : i32 to index
          %swap3A_312 = tpu.vector_load %run_scoped3A_19[%swap3A_311] {strides = array<i32>} : memref<10000xf32, #tpu.memory_space<vmem>>, vector<16xf32>,
          tpu.vector_store %run_scoped3A_19[%swap3A_311], %select_n3A_303 {strides = array<i32>} : memref<10000xf32, #tpu.memory_space<vmem>>, vector<16xf32>,
          %max3A_313 = arith.maximumf %max3A_280, %select_n3A_303 : vector<16xf32>
          %get3A_314 = arith.index_cast %scan3A_182 : i32 to index
          %get3A_315 = arith.constant 64 : index
          %get3A_316 = tpu.vector_load %arg12[%get3A_314, %get3A_315] {strides = array<i32>} : memref<25x80xi32, #tpu.memory_space<vmem>>, vector<16xi32>,
          %gather3A_317 = tpu.vector_load_idx %run_scoped3A[%get3A_316] : memref<10000xf32, #tpu.memory_space<vmem>>[vector<16xi32>], vector<16xf32>,
          %get3A_318 = arith.index_cast %scan3A_182 : i32 to index
          %get3A_319 = arith.constant 64 : index
          %get3A_320 = tpu.vector_load %arg13[%get3A_318, %get3A_319] {strides = array<i32>} : memref<25x80xi32, #tpu.memory_space<vmem>>, vector<16xi32>,
          %gather3A_321 = tpu.vector_load_idx %run_scoped3A_18[%get3A_320] : memref<10000xf32, #tpu.memory_space<vmem>>[vector<16xi32>], vector<16xf32>,
          %add3A_322 = arith.addf %gather3A_317, %gather3A_321 : vector<16xf32>
          %mul3A_323 = arith.constant 80 : i32
          %mul3A_324 = arith.muli %scan3A_182, %mul3A_323 : i32
          %add3A_325 = arith.constant 64 : i32
          %add3A_326 = arith.addi %mul3A_324, %add3A_325 : i32
          %get3A_327 = arith.index_cast %add3A_326 : i32 to index
          %get3A_328 = tpu.vector_load %arg14[%get3A_327] {strides = array<i32>} : memref<2000xf32, #tpu.memory_space<vmem>>, vector<16xf32>,
          %add3A_329 = arith.addf %add3A_322, %get3A_328 : vector<16xf32>
          %ge3A_330 = arith.constant 0.000000e+00 : f32
          %ge3A_331 = vector.broadcast %ge3A_330 : f32 to vector<16xf32>
          %ge3A_332 = arith.cmpf oge, %add3A_329, %ge3A_331 : vector<16xf32>
          %mul3A_333 = arith.constant 0.00999999977 : f32
          %mul3A_334 = vector.broadcast %mul3A_333 : f32 to vector<16xf32>
          %mul3A_335 = arith.mulf %add3A_329, %mul3A_334 : vector<16xf32>
          %select_n3A_336 = arith.select %ge3A_332, %add3A_329, %mul3A_335 : vector<16xi1>, vector<16xf32>
          %mul3A_337 = arith.constant 2000 : i32
          %mul3A_338 = arith.muli %scan3A_130, %mul3A_337 : i32
          %mul3A_339 = arith.constant 80 : i32
          %mul3A_340 = arith.muli %scan3A_182, %mul3A_339 : i32
          %add3A_341 = arith.addi %mul3A_338, %mul3A_340 : i32
          %add3A_342 = arith.constant 64 : i32
          %add3A_343 = arith.addi %add3A_341, %add3A_342 : i32
          %swap3A_344 = arith.index_cast %add3A_343 : i32 to index
          %swap3A_345 = tpu.vector_load %run_scoped3A_19[%swap3A_344] {strides = array<i32>} : memref<10000xf32, #tpu.memory_space<vmem>>, vector<16xf32>,
          tpu.vector_store %run_scoped3A_19[%swap3A_344], %select_n3A_336 {strides = array<i32>} : memref<10000xf32, #tpu.memory_space<vmem>>, vector<16xf32>,
          %max3A_346 = arith.maximumf %max3A_313, %select_n3A_336 : vector<16xf32>
          scf.yield %max3A_346 : vector<16xf32>
        }
        %scan3A_181 = arith.constant 25 : i32
        scf.yield %scan3A_180 : vector<16xf32>
      }
      %scan3A_33 = arith.constant 5 : i32
      %swap3A = arith.constant 0 : index
      %swap3A_34 = tpu.vector_load %arg18[%swap3A] {strides = array<i32>} : memref<16xf32, #tpu.memory_space<vmem>>, vector<16xf32>,
      tpu.vector_store %arg18[%swap3A], %scan3A_32 {strides = array<i32>} : memref<16xf32, #tpu.memory_space<vmem>>, vector<16xf32>,
      "tpu.region"() ({
        %run_scoped3A_130 = tpu.sem_alloc : memref<!tpu.dma_semaphore, #tpu.memory_space<semaphore_mem>>
        %dma_start3A = arith.constant 0 : i32
        %dma_start3A_131 = tpu.memref_slice %arg20[%arg1, %dma_start3A] : memref<16x16xf32, #tpu.memory_space<vmem_shared>> -> memref<1x16xf32, #tpu.memory_space<vmem_shared>>
        %dma_start3A_132 = tpu.memref_squeeze %dma_start3A_131 : memref<1x16xf32, #tpu.memory_space<vmem_shared>> -> memref<16xf32, #tpu.memory_space<vmem_shared>>
        %dma_start3A_133 = arith.constant 0 : i32
        %dma_start3A_134 = tpu.memref_slice %arg20[%arg1, %dma_start3A_133] : memref<16x16xf32, #tpu.memory_space<vmem_shared>> -> memref<1x16xf32, #tpu.memory_space<vmem_shared>>
        %dma_start3A_135 = tpu.memref_squeeze %dma_start3A_134 : memref<1x16xf32, #tpu.memory_space<vmem_shared>> -> memref<16xf32, #tpu.memory_space<vmem_shared>>
        tpu.enqueue_dma source(%arg18 : memref<16xf32, #tpu.memory_space<vmem>>) target(%dma_start3A_135 : memref<16xf32, #tpu.memory_space<vmem_shared>>) target_semaphore(%run_scoped3A_130 : memref<!tpu.dma_semaphore, #tpu.memory_space<semaphore_mem>>)
        %dma_wait3A = arith.constant 0 : i32
        %dma_wait3A_136 = tpu.memref_slice %arg20[%arg1, %dma_wait3A] : memref<16x16xf32, #tpu.memory_space<vmem_shared>> -> memref<1x16xf32, #tpu.memory_space<vmem_shared>>
        %dma_wait3A_137 = tpu.memref_squeeze %dma_wait3A_136 : memref<1x16xf32, #tpu.memory_space<vmem_shared>> -> memref<16xf32, #tpu.memory_space<vmem_shared>>
        %dma_wait3A_138 = arith.constant 0 : i32
        %dma_wait3A_139 = tpu.memref_slice %arg20[%arg1, %dma_wait3A_138] : memref<16x16xf32, #tpu.memory_space<vmem_shared>> -> memref<1x16xf32, #tpu.memory_space<vmem_shared>>
        %dma_wait3A_140 = tpu.memref_squeeze %dma_wait3A_139 : memref<1x16xf32, #tpu.memory_space<vmem_shared>> -> memref<16xf32, #tpu.memory_space<vmem_shared>>
        tpu.wait_dma2 semaphore(%run_scoped3A_130 : memref<!tpu.dma_semaphore, #tpu.memory_space<semaphore_mem>>) src(%arg18 : memref<16xf32, #tpu.memory_space<vmem>>) dst(%dma_wait3A_140 : memref<16xf32, #tpu.memory_space<vmem_shared>>)
        tpu.yield
      }) : () -> ()
      %barrier3A_35 = arith.constant 0 : index
      tpu.barrier barrier_id(%barrier3A_35)
      "tpu.region"() ({
        %run_scoped3A_130 = tpu.sem_alloc : memref<!tpu.dma_semaphore, #tpu.memory_space<semaphore_mem>>
        tpu.enqueue_dma source(%arg20 : memref<16x16xf32, #tpu.memory_space<vmem_shared>>) target(%arg19 : memref<16x16xf32, #tpu.memory_space<vmem>>) target_semaphore(%run_scoped3A_130 : memref<!tpu.dma_semaphore, #tpu.memory_space<semaphore_mem>>)
        tpu.wait_dma2 semaphore(%run_scoped3A_130 : memref<!tpu.dma_semaphore, #tpu.memory_space<semaphore_mem>>) src(%arg20 : memref<16x16xf32, #tpu.memory_space<vmem_shared>>) dst(%arg19 : memref<16x16xf32, #tpu.memory_space<vmem>>)
        tpu.yield
      }) : () -> ()
      %get3A = arith.constant 0 : i32
      %get3A_36 = arith.index_cast %get3A : i32 to index
      %get3A_37 = arith.constant 0 : index
      %get3A_38 = tpu.vector_load %arg19[%get3A_36, %get3A_37] {strides = array<i32>} : memref<16x16xf32, #tpu.memory_space<vmem>>, vector<16xf32>,
      %get3A_39 = arith.constant 1 : i32
      %get3A_40 = arith.index_cast %get3A_39 : i32 to index
      %get3A_41 = arith.constant 0 : index
      %get3A_42 = tpu.vector_load %arg19[%get3A_40, %get3A_41] {strides = array<i32>} : memref<16x16xf32, #tpu.memory_space<vmem>>, vector<16xf32>,
      %max3A = arith.maximumf %get3A_38, %get3A_42 : vector<16xf32>
      %get3A_43 = arith.constant 2 : i32
      %get3A_44 = arith.index_cast %get3A_43 : i32 to index
      %get3A_45 = arith.constant 0 : index
      %get3A_46 = tpu.vector_load %arg19[%get3A_44, %get3A_45] {strides = array<i32>} : memref<16x16xf32, #tpu.memory_space<vmem>>, vector<16xf32>,
      %max3A_47 = arith.maximumf %max3A, %get3A_46 : vector<16xf32>
      %get3A_48 = arith.constant 3 : i32
      %get3A_49 = arith.index_cast %get3A_48 : i32 to index
      %get3A_50 = arith.constant 0 : index
      %get3A_51 = tpu.vector_load %arg19[%get3A_49, %get3A_50] {strides = array<i32>} : memref<16x16xf32, #tpu.memory_space<vmem>>, vector<16xf32>,
      %max3A_52 = arith.maximumf %max3A_47, %get3A_51 : vector<16xf32>
      %get3A_53 = arith.constant 4 : i32
      %get3A_54 = arith.index_cast %get3A_53 : i32 to index
      %get3A_55 = arith.constant 0 : index
      %get3A_56 = tpu.vector_load %arg19[%get3A_54, %get3A_55] {strides = array<i32>} : memref<16x16xf32, #tpu.memory_space<vmem>>, vector<16xf32>,
      %max3A_57 = arith.maximumf %max3A_52, %get3A_56 : vector<16xf32>
      %get3A_58 = arith.constant 5 : i32
      %get3A_59 = arith.index_cast %get3A_58 : i32 to index
      %get3A_60 = arith.constant 0 : index
      %get3A_61 = tpu.vector_load %arg19[%get3A_59, %get3A_60] {strides = array<i32>} : memref<16x16xf32, #tpu.memory_space<vmem>>, vector<16xf32>,
      %max3A_62 = arith.maximumf %max3A_57, %get3A_61 : vector<16xf32>
      %get3A_63 = arith.constant 6 : i32
      %get3A_64 = arith.index_cast %get3A_63 : i32 to index
      %get3A_65 = arith.constant 0 : index
      %get3A_66 = tpu.vector_load %arg19[%get3A_64, %get3A_65] {strides = array<i32>} : memref<16x16xf32, #tpu.memory_space<vmem>>, vector<16xf32>,
      %max3A_67 = arith.maximumf %max3A_62, %get3A_66 : vector<16xf32>
      %get3A_68 = arith.constant 7 : i32
      %get3A_69 = arith.index_cast %get3A_68 : i32 to index
      %get3A_70 = arith.constant 0 : index
      %get3A_71 = tpu.vector_load %arg19[%get3A_69, %get3A_70] {strides = array<i32>} : memref<16x16xf32, #tpu.memory_space<vmem>>, vector<16xf32>,
      %max3A_72 = arith.maximumf %max3A_67, %get3A_71 : vector<16xf32>
      %get3A_73 = arith.constant 8 : i32
      %get3A_74 = arith.index_cast %get3A_73 : i32 to index
      %get3A_75 = arith.constant 0 : index
      %get3A_76 = tpu.vector_load %arg19[%get3A_74, %get3A_75] {strides = array<i32>} : memref<16x16xf32, #tpu.memory_space<vmem>>, vector<16xf32>,
      %max3A_77 = arith.maximumf %max3A_72, %get3A_76 : vector<16xf32>
      %get3A_78 = arith.constant 9 : i32
      %get3A_79 = arith.index_cast %get3A_78 : i32 to index
      %get3A_80 = arith.constant 0 : index
      %get3A_81 = tpu.vector_load %arg19[%get3A_79, %get3A_80] {strides = array<i32>} : memref<16x16xf32, #tpu.memory_space<vmem>>, vector<16xf32>,
      %max3A_82 = arith.maximumf %max3A_77, %get3A_81 : vector<16xf32>
      %get3A_83 = arith.constant 10 : i32
      %get3A_84 = arith.index_cast %get3A_83 : i32 to index
      %get3A_85 = arith.constant 0 : index
      %get3A_86 = tpu.vector_load %arg19[%get3A_84, %get3A_85] {strides = array<i32>} : memref<16x16xf32, #tpu.memory_space<vmem>>, vector<16xf32>,
      %max3A_87 = arith.maximumf %max3A_82, %get3A_86 : vector<16xf32>
      %get3A_88 = arith.constant 11 : i32
      %get3A_89 = arith.index_cast %get3A_88 : i32 to index
      %get3A_90 = arith.constant 0 : index
      %get3A_91 = tpu.vector_load %arg19[%get3A_89, %get3A_90] {strides = array<i32>} : memref<16x16xf32, #tpu.memory_space<vmem>>, vector<16xf32>,
      %max3A_92 = arith.maximumf %max3A_87, %get3A_91 : vector<16xf32>
      %get3A_93 = arith.constant 12 : i32
      %get3A_94 = arith.index_cast %get3A_93 : i32 to index
      %get3A_95 = arith.constant 0 : index
      %get3A_96 = tpu.vector_load %arg19[%get3A_94, %get3A_95] {strides = array<i32>} : memref<16x16xf32, #tpu.memory_space<vmem>>, vector<16xf32>,
      %max3A_97 = arith.maximumf %max3A_92, %get3A_96 : vector<16xf32>
      %get3A_98 = arith.constant 13 : i32
      %get3A_99 = arith.index_cast %get3A_98 : i32 to index
      %get3A_100 = arith.constant 0 : index
      %get3A_101 = tpu.vector_load %arg19[%get3A_99, %get3A_100] {strides = array<i32>} : memref<16x16xf32, #tpu.memory_space<vmem>>, vector<16xf32>,
      %max3A_102 = arith.maximumf %max3A_97, %get3A_101 : vector<16xf32>
      %get3A_103 = arith.constant 14 : i32
      %get3A_104 = arith.index_cast %get3A_103 : i32 to index
      %get3A_105 = arith.constant 0 : index
      %get3A_106 = tpu.vector_load %arg19[%get3A_104, %get3A_105] {strides = array<i32>} : memref<16x16xf32, #tpu.memory_space<vmem>>, vector<16xf32>,
      %max3A_107 = arith.maximumf %max3A_102, %get3A_106 : vector<16xf32>
      %get3A_108 = arith.constant 15 : i32
      %get3A_109 = arith.index_cast %get3A_108 : i32 to index
      %get3A_110 = arith.constant 0 : index
      %get3A_111 = tpu.vector_load %arg19[%get3A_109, %get3A_110] {strides = array<i32>} : memref<16x16xf32, #tpu.memory_space<vmem>>, vector<16xf32>,
      %max3A_112 = arith.maximumf %max3A_107, %get3A_111 : vector<16xf32>
      %reduce_max3A = arith.constant true
      %reduce_max3A_113 = vector.broadcast %reduce_max3A : i1 to vector<16xi1>
      %reduce_max3A_114 = tpu.scan <max>, %max3A_112 masked %reduce_max3A_113 : vector<16xf32>, vector<16xi1> -> vector<16xf32>
      %reduce_max3A_115 = vector.extract %reduce_max3A_114[15] : f32 from vector<16xf32>
      %scan3A_116 = arith.constant 0 : i32
      %scan3A_117 = arith.constant 0 : i32
      %scan3A_118 = arith.constant 5 : i32
      %scan3A_119 = arith.addi %scan3A_117, %scan3A_118 : i32
      %scan3A_120 = arith.constant 1 : i32
      %scan3A_121 = scf.for %scan3A_130 = %scan3A_117 to %scan3A_119 step %scan3A_120 iter_args(%scan3A_131 = %scan3A_116) -> (i32)  : i32 {
        %mul3A_132 = arith.constant 2000 : i32
        %mul3A_133 = arith.muli %scan3A_130, %mul3A_132 : i32
        %add3A_134 = arith.addi %mul3A_2, %mul3A_133 : i32
        %jit3A = arith.constant 80 : i32
        %div3A = arith.divsi %add3A_134, %jit3A : i32
        %sign3A = arith.constant 0 : i32
        %sign3A_135 = arith.cmpi sgt, %add3A_134, %sign3A : i32
        %sign3A_136 = arith.extui %sign3A_135 : i1 to i32
        %sign3A_137 = arith.constant 0 : i32
        %sign3A_138 = arith.cmpi slt, %add3A_134, %sign3A_137 : i32
        %sign3A_139 = arith.extui %sign3A_138 : i1 to i32
        %sign3A_140 = arith.subi %sign3A_136, %sign3A_139 : i32
        %sign3A_141 = arith.constant 0 : i32
        %sign3A_142 = arith.cmpi sgt, %jit3A, %sign3A_141 : i32
        %sign3A_143 = arith.extui %sign3A_142 : i1 to i32
        %sign3A_144 = arith.constant 0 : i32
        %sign3A_145 = arith.cmpi slt, %jit3A, %sign3A_144 : i32
        %sign3A_146 = arith.extui %sign3A_145 : i1 to i32
        %sign3A_147 = arith.subi %sign3A_143, %sign3A_146 : i32
        %ne3A = arith.cmpi ne, %sign3A_140, %sign3A_147 : i32
        %rem3A = arith.remsi %add3A_134, %jit3A : i32
        %ne3A_148 = arith.constant 0 : i32
        %ne3A_149 = arith.cmpi ne, %rem3A, %ne3A_148 : i32
        %and3A = arith.andi %ne3A, %ne3A_149 : i1
        %sub3A_150 = arith.constant 1 : i32
        %sub3A_151 = arith.subi %div3A, %sub3A_150 : i32
        %select_n3A = arith.select %and3A, %sub3A_151, %div3A : i32
        "tpu.region"() ({
          %run_scoped3A_167 = tpu.sem_alloc : memref<!tpu.dma_semaphore, #tpu.memory_space<semaphore_mem>>
          %dma_start3A = arith.constant 0 : i32
          %dma_start3A_168 = tpu.memref_slice %arg3[%select_n3A, %dma_start3A] : memref<4000x80xi32, #tpu.memory_space<hbm>> -> memref<25x80xi32, #tpu.memory_space<hbm>>
          %dma_start3A_169 = arith.constant 0 : i32
          %dma_start3A_170 = tpu.memref_slice %arg3[%select_n3A, %dma_start3A_169] : memref<4000x80xi32, #tpu.memory_space<hbm>> -> memref<25x80xi32, #tpu.memory_space<hbm>>
          tpu.enqueue_dma source(%dma_start3A_170 : memref<25x80xi32, #tpu.memory_space<hbm>>) target(%arg13 : memref<25x80xi32, #tpu.memory_space<vmem>>) target_semaphore(%run_scoped3A_167 : memref<!tpu.dma_semaphore, #tpu.memory_space<semaphore_mem>>)
          %dma_wait3A = arith.constant 0 : i32
          %dma_wait3A_171 = tpu.memref_slice %arg3[%select_n3A, %dma_wait3A] : memref<4000x80xi32, #tpu.memory_space<hbm>> -> memref<25x80xi32, #tpu.memory_space<hbm>>
          %dma_wait3A_172 = arith.constant 0 : i32
          %dma_wait3A_173 = tpu.memref_slice %arg3[%select_n3A, %dma_wait3A_172] : memref<4000x80xi32, #tpu.memory_space<hbm>> -> memref<25x80xi32, #tpu.memory_space<hbm>>
          tpu.wait_dma2 semaphore(%run_scoped3A_167 : memref<!tpu.dma_semaphore, #tpu.memory_space<semaphore_mem>>) src(%dma_wait3A_173 : memref<25x80xi32, #tpu.memory_space<hbm>>) dst(%arg13 : memref<25x80xi32, #tpu.memory_space<vmem>>)
          tpu.yield
        }) : () -> ()
        %scan3A_152 = arith.constant 0 : i32
        %scan3A_153 = arith.constant 0 : i32
        %scan3A_154 = arith.constant 125 : i32
        %scan3A_155 = arith.addi %scan3A_153, %scan3A_154 : i32
        %scan3A_156 = arith.constant 1 : i32
        %scan3A_157 = scf.for %scan3A_167 = %scan3A_153 to %scan3A_155 step %scan3A_156 iter_args(%scan3A_168 = %scan3A_152) -> (i32)  : i32 {
          %mul3A_169 = arith.constant 2000 : i32
          %mul3A_170 = arith.muli %scan3A_130, %mul3A_169 : i32
          %mul3A_171 = arith.constant 16 : i32
          %mul3A_172 = arith.muli %scan3A_167, %mul3A_171 : i32
          %add3A_173 = arith.addi %mul3A_170, %mul3A_172 : i32
          %get3A_174 = arith.index_cast %add3A_173 : i32 to index
          %get3A_175 = tpu.vector_load %arg11[%get3A_174] {strides = array<i32>} : memref<10016xf32, #tpu.memory_space<vmem>>, vector<16xf32>,
          %sub3A_176 = vector.broadcast %reduce_max3A_115 : f32 to vector<16xf32>
          %sub3A_177 = arith.subf %get3A_175, %sub3A_176 : vector<16xf32>
          %exp3A = math.exp %sub3A_177 : vector<16xf32>
          %swap3A_178 = arith.index_cast %add3A_173 : i32 to index
          %swap3A_179 = tpu.vector_load %arg11[%swap3A_178] {strides = array<i32>} : memref<10016xf32, #tpu.memory_space<vmem>>, vector<16xf32>,
          tpu.vector_store %arg11[%swap3A_178], %exp3A {strides = array<i32>} : memref<10016xf32, #tpu.memory_space<vmem>>, vector<16xf32>,
          %scan3A_180 = arith.constant 0 : i32
          scf.yield %scan3A_180 : i32
        }
        %scan3A_158 = arith.constant 125 : i32
        %scan3A_159 = arith.constant 0 : i32
        %scan3A_160 = arith.constant 0 : i32
        %scan3A_161 = arith.constant 25 : i32
        %scan3A_162 = arith.addi %scan3A_160, %scan3A_161 : i32
        %scan3A_163 = arith.constant 1 : i32
        %scan3A_164 = scf.for %scan3A_167 = %scan3A_160 to %scan3A_162 step %scan3A_163 iter_args(%scan3A_168 = %scan3A_159) -> (i32)  : i32 {
          %mul3A_169 = arith.constant 2000 : i32
          %mul3A_170 = arith.muli %scan3A_130, %mul3A_169 : i32
          %mul3A_171 = arith.constant 80 : i32
          %mul3A_172 = arith.muli %scan3A_167, %mul3A_171 : i32
          %add3A_173 = arith.addi %mul3A_170, %mul3A_172 : i32
          "tpu.region"() ({
            %run_scoped3A_175 = tpu.sem_alloc : memref<!tpu.dma_semaphore, #tpu.memory_space<semaphore_mem>>
            %dma_start3A = tpu.memref_slice %arg11[%add3A_173] : memref<10016xf32, #tpu.memory_space<vmem>> -> memref<80xf32, #tpu.memory_space<vmem>>
            %dma_start3A_176 = arith.constant 0 : i32
            %dma_start3A_177 = tpu.memref_slice %arg13[%scan3A_167, %dma_start3A_176] : memref<25x80xi32, #tpu.memory_space<vmem>> -> memref<1x80xi32, #tpu.memory_space<vmem>>
            %dma_start3A_178 = tpu.memref_squeeze %dma_start3A_177 : memref<1x80xi32, #tpu.memory_space<vmem>> -> memref<80xi32, #tpu.memory_space<vmem>>
            %dma_start3A_179 = arith.constant 0 : i32
            %dma_start3A_180 = tpu.memref_slice %arg21[%dma_start3A_179] : memref<10240xf32, #tpu.memory_space<vmem_shared>> -> memref<10240xf32, #tpu.memory_space<vmem_shared>>
            tpu.enqueue_indirect_dma source(%dma_start3A : memref<80xf32, #tpu.memory_space<vmem>>) target(%dma_start3A_180 : memref<10240xf32, #tpu.memory_space<vmem_shared>>) offsets(%dma_start3A_178 : memref<80xi32, #tpu.memory_space<vmem>>) semaphore(%run_scoped3A_175 : memref<!tpu.dma_semaphore, #tpu.memory_space<semaphore_mem>>) {add = true}
            %dma_wait3A = tpu.memref_slice %arg11[%add3A_173] : memref<10016xf32, #tpu.memory_space<vmem>> -> memref<80xf32, #tpu.memory_space<vmem>>
            %dma_wait3A_181 = arith.constant 0 : i32
            %dma_wait3A_182 = tpu.memref_slice %arg13[%scan3A_167, %dma_wait3A_181] : memref<25x80xi32, #tpu.memory_space<vmem>> -> memref<1x80xi32, #tpu.memory_space<vmem>>
            %dma_wait3A_183 = tpu.memref_squeeze %dma_wait3A_182 : memref<1x80xi32, #tpu.memory_space<vmem>> -> memref<80xi32, #tpu.memory_space<vmem>>
            %dma_wait3A_184 = arith.constant 0 : i32
            %dma_wait3A_185 = tpu.memref_slice %arg21[%dma_wait3A_184] : memref<10240xf32, #tpu.memory_space<vmem_shared>> -> memref<10240xf32, #tpu.memory_space<vmem_shared>>
            tpu.wait_indirect_dma semaphore(%run_scoped3A_175 : memref<!tpu.dma_semaphore, #tpu.memory_space<semaphore_mem>>) src(%dma_wait3A : memref<80xf32, #tpu.memory_space<vmem>>) dst(%dma_wait3A_185 : memref<10240xf32, #tpu.memory_space<vmem_shared>>)
            tpu.yield
          }) : () -> ()
          %scan3A_174 = arith.constant 0 : i32
          scf.yield %scan3A_174 : i32
        }
        %scan3A_165 = arith.constant 25 : i32
        %scan3A_166 = arith.constant 0 : i32
        scf.yield %scan3A_166 : i32
      }
      %scan3A_122 = arith.constant 5 : i32
      %scan3A_123 = arith.constant 0 : i32
      %scan3A_124 = arith.constant 0 : i32
      %scan3A_125 = arith.constant 5 : i32
      %scan3A_126 = arith.addi %scan3A_124, %scan3A_125 : i32
      %scan3A_127 = arith.constant 1 : i32
      %scan3A_128 = scf.for %scan3A_130 = %scan3A_124 to %scan3A_126 step %scan3A_127 iter_args(%scan3A_131 = %scan3A_123) -> (i32)  : i32 {
        %mul3A_132 = arith.constant 2000 : i32
        %mul3A_133 = arith.muli %scan3A_130, %mul3A_132 : i32
        %add3A_134 = arith.addi %mul3A_8, %mul3A_133 : i32
        %jit3A = arith.constant 80 : i32
        %div3A = arith.divsi %add3A_134, %jit3A : i32
        %sign3A = arith.constant 0 : i32
        %sign3A_135 = arith.cmpi sgt, %add3A_134, %sign3A : i32
        %sign3A_136 = arith.extui %sign3A_135 : i1 to i32
        %sign3A_137 = arith.constant 0 : i32
        %sign3A_138 = arith.cmpi slt, %add3A_134, %sign3A_137 : i32
        %sign3A_139 = arith.extui %sign3A_138 : i1 to i32
        %sign3A_140 = arith.subi %sign3A_136, %sign3A_139 : i32
        %sign3A_141 = arith.constant 0 : i32
        %sign3A_142 = arith.cmpi sgt, %jit3A, %sign3A_141 : i32
        %sign3A_143 = arith.extui %sign3A_142 : i1 to i32
        %sign3A_144 = arith.constant 0 : i32
        %sign3A_145 = arith.cmpi slt, %jit3A, %sign3A_144 : i32
        %sign3A_146 = arith.extui %sign3A_145 : i1 to i32
        %sign3A_147 = arith.subi %sign3A_143, %sign3A_146 : i32
        %ne3A = arith.cmpi ne, %sign3A_140, %sign3A_147 : i32
        %rem3A = arith.remsi %add3A_134, %jit3A : i32
        %ne3A_148 = arith.constant 0 : i32
        %ne3A_149 = arith.cmpi ne, %rem3A, %ne3A_148 : i32
        %and3A = arith.andi %ne3A, %ne3A_149 : i1
        %sub3A_150 = arith.constant 1 : i32
        %sub3A_151 = arith.subi %div3A, %sub3A_150 : i32
        %select_n3A = arith.select %and3A, %sub3A_151, %div3A : i32
        "tpu.region"() ({
          %run_scoped3A_167 = tpu.sem_alloc : memref<!tpu.dma_semaphore, #tpu.memory_space<semaphore_mem>>
          %dma_start3A = arith.constant 0 : i32
          %dma_start3A_168 = tpu.memref_slice %arg3[%select_n3A, %dma_start3A] : memref<4000x80xi32, #tpu.memory_space<hbm>> -> memref<25x80xi32, #tpu.memory_space<hbm>>
          %dma_start3A_169 = arith.constant 0 : i32
          %dma_start3A_170 = tpu.memref_slice %arg3[%select_n3A, %dma_start3A_169] : memref<4000x80xi32, #tpu.memory_space<hbm>> -> memref<25x80xi32, #tpu.memory_space<hbm>>
          tpu.enqueue_dma source(%dma_start3A_170 : memref<25x80xi32, #tpu.memory_space<hbm>>) target(%arg13 : memref<25x80xi32, #tpu.memory_space<vmem>>) target_semaphore(%run_scoped3A_167 : memref<!tpu.dma_semaphore, #tpu.memory_space<semaphore_mem>>)
          %dma_wait3A = arith.constant 0 : i32
          %dma_wait3A_171 = tpu.memref_slice %arg3[%select_n3A, %dma_wait3A] : memref<4000x80xi32, #tpu.memory_space<hbm>> -> memref<25x80xi32, #tpu.memory_space<hbm>>
          %dma_wait3A_172 = arith.constant 0 : i32
          %dma_wait3A_173 = tpu.memref_slice %arg3[%select_n3A, %dma_wait3A_172] : memref<4000x80xi32, #tpu.memory_space<hbm>> -> memref<25x80xi32, #tpu.memory_space<hbm>>
          tpu.wait_dma2 semaphore(%run_scoped3A_167 : memref<!tpu.dma_semaphore, #tpu.memory_space<semaphore_mem>>) src(%dma_wait3A_173 : memref<25x80xi32, #tpu.memory_space<hbm>>) dst(%arg13 : memref<25x80xi32, #tpu.memory_space<vmem>>)
          tpu.yield
        }) : () -> ()
        %scan3A_152 = arith.constant 0 : i32
        %scan3A_153 = arith.constant 0 : i32
        %scan3A_154 = arith.constant 125 : i32
        %scan3A_155 = arith.addi %scan3A_153, %scan3A_154 : i32
        %scan3A_156 = arith.constant 1 : i32
        %scan3A_157 = scf.for %scan3A_167 = %scan3A_153 to %scan3A_155 step %scan3A_156 iter_args(%scan3A_168 = %scan3A_152) -> (i32)  : i32 {
          %mul3A_169 = arith.constant 2000 : i32
          %mul3A_170 = arith.muli %scan3A_130, %mul3A_169 : i32
          %mul3A_171 = arith.constant 16 : i32
          %mul3A_172 = arith.muli %scan3A_167, %mul3A_171 : i32
          %add3A_173 = arith.addi %mul3A_170, %mul3A_172 : i32
          %get3A_174 = arith.index_cast %add3A_173 : i32 to index
          %get3A_175 = tpu.vector_load %run_scoped3A_19[%get3A_174] {strides = array<i32>} : memref<10000xf32, #tpu.memory_space<vmem>>, vector<16xf32>,
          %sub3A_176 = vector.broadcast %reduce_max3A_115 : f32 to vector<16xf32>
          %sub3A_177 = arith.subf %get3A_175, %sub3A_176 : vector<16xf32>
          %exp3A = math.exp %sub3A_177 : vector<16xf32>
          %swap3A_178 = arith.index_cast %add3A_173 : i32 to index
          %swap3A_179 = tpu.vector_load %run_scoped3A_19[%swap3A_178] {strides = array<i32>} : memref<10000xf32, #tpu.memory_space<vmem>>, vector<16xf32>,
          tpu.vector_store %run_scoped3A_19[%swap3A_178], %exp3A {strides = array<i32>} : memref<10000xf32, #tpu.memory_space<vmem>>, vector<16xf32>,
          %scan3A_180 = arith.constant 0 : i32
          scf.yield %scan3A_180 : i32
        }
        %scan3A_158 = arith.constant 125 : i32
        %scan3A_159 = arith.constant 0 : i32
        %scan3A_160 = arith.constant 0 : i32
        %scan3A_161 = arith.constant 25 : i32
        %scan3A_162 = arith.addi %scan3A_160, %scan3A_161 : i32
        %scan3A_163 = arith.constant 1 : i32
        %scan3A_164 = scf.for %scan3A_167 = %scan3A_160 to %scan3A_162 step %scan3A_163 iter_args(%scan3A_168 = %scan3A_159) -> (i32)  : i32 {
          %mul3A_169 = arith.constant 2000 : i32
          %mul3A_170 = arith.muli %scan3A_130, %mul3A_169 : i32
          %mul3A_171 = arith.constant 80 : i32
          %mul3A_172 = arith.muli %scan3A_167, %mul3A_171 : i32
          %add3A_173 = arith.addi %mul3A_170, %mul3A_172 : i32
          "tpu.region"() ({
            %run_scoped3A_175 = tpu.sem_alloc : memref<!tpu.dma_semaphore, #tpu.memory_space<semaphore_mem>>
            %dma_start3A = tpu.memref_slice %run_scoped3A_19[%add3A_173] : memref<10000xf32, #tpu.memory_space<vmem>> -> memref<80xf32, #tpu.memory_space<vmem>>
            %dma_start3A_176 = arith.constant 0 : i32
            %dma_start3A_177 = tpu.memref_slice %arg13[%scan3A_167, %dma_start3A_176] : memref<25x80xi32, #tpu.memory_space<vmem>> -> memref<1x80xi32, #tpu.memory_space<vmem>>
            %dma_start3A_178 = tpu.memref_squeeze %dma_start3A_177 : memref<1x80xi32, #tpu.memory_space<vmem>> -> memref<80xi32, #tpu.memory_space<vmem>>
            %dma_start3A_179 = arith.constant 0 : i32
            %dma_start3A_180 = tpu.memref_slice %arg21[%dma_start3A_179] : memref<10240xf32, #tpu.memory_space<vmem_shared>> -> memref<10240xf32, #tpu.memory_space<vmem_shared>>
            tpu.enqueue_indirect_dma source(%dma_start3A : memref<80xf32, #tpu.memory_space<vmem>>) target(%dma_start3A_180 : memref<10240xf32, #tpu.memory_space<vmem_shared>>) offsets(%dma_start3A_178 : memref<80xi32, #tpu.memory_space<vmem>>) semaphore(%run_scoped3A_175 : memref<!tpu.dma_semaphore, #tpu.memory_space<semaphore_mem>>) {add = true}
            %dma_wait3A = tpu.memref_slice %run_scoped3A_19[%add3A_173] : memref<10000xf32, #tpu.memory_space<vmem>> -> memref<80xf32, #tpu.memory_space<vmem>>
            %dma_wait3A_181 = arith.constant 0 : i32
            %dma_wait3A_182 = tpu.memref_slice %arg13[%scan3A_167, %dma_wait3A_181] : memref<25x80xi32, #tpu.memory_space<vmem>> -> memref<1x80xi32, #tpu.memory_space<vmem>>
            %dma_wait3A_183 = tpu.memref_squeeze %dma_wait3A_182 : memref<1x80xi32, #tpu.memory_space<vmem>> -> memref<80xi32, #tpu.memory_space<vmem>>
            %dma_wait3A_184 = arith.constant 0 : i32
            %dma_wait3A_185 = tpu.memref_slice %arg21[%dma_wait3A_184] : memref<10240xf32, #tpu.memory_space<vmem_shared>> -> memref<10240xf32, #tpu.memory_space<vmem_shared>>
            tpu.wait_indirect_dma semaphore(%run_scoped3A_175 : memref<!tpu.dma_semaphore, #tpu.memory_space<semaphore_mem>>) src(%dma_wait3A : memref<80xf32, #tpu.memory_space<vmem>>) dst(%dma_wait3A_185 : memref<10240xf32, #tpu.memory_space<vmem_shared>>)
            tpu.yield
          }) : () -> ()
          %scan3A_174 = arith.constant 0 : i32
          scf.yield %scan3A_174 : i32
        }
        %scan3A_165 = arith.constant 25 : i32
        %scan3A_166 = arith.constant 0 : i32
        scf.yield %scan3A_166 : i32
      }
      %scan3A_129 = arith.constant 5 : i32
      tpu.yield
    }) : () -> ()
    %barrier3A = arith.constant 0 : index
    tpu.barrier barrier_id(%barrier3A)
    "tpu.region"() ({
      %run_scoped3A = memref.alloca() : memref<10240xf32, #tpu.memory_space<vmem>>
      "tpu.region"() ({
        %run_scoped3A_36 = tpu.sem_alloc : memref<!tpu.dma_semaphore, #tpu.memory_space<semaphore_mem>>
        tpu.enqueue_dma source(%arg21 : memref<10240xf32, #tpu.memory_space<vmem_shared>>) target(%run_scoped3A : memref<10240xf32, #tpu.memory_space<vmem>>) target_semaphore(%run_scoped3A_36 : memref<!tpu.dma_semaphore, #tpu.memory_space<semaphore_mem>>)
        tpu.wait_dma2 semaphore(%run_scoped3A_36 : memref<!tpu.dma_semaphore, #tpu.memory_space<semaphore_mem>>) src(%arg21 : memref<10240xf32, #tpu.memory_space<vmem_shared>>) dst(%run_scoped3A : memref<10240xf32, #tpu.memory_space<vmem>>)
        tpu.yield
      }) : () -> ()
      %scan3A_18 = arith.constant 0 : i32
      %scan3A_19 = arith.constant 0 : i32
      %scan3A_20 = arith.constant 640 : i32
      %scan3A_21 = arith.addi %scan3A_19, %scan3A_20 : i32
      %scan3A_22 = arith.constant 1 : i32
      %scan3A_23 = scf.for %scan3A_36 = %scan3A_19 to %scan3A_21 step %scan3A_22 iter_args(%scan3A_37 = %scan3A_18) -> (i32)  : i32 {
        %mul3A_38 = arith.constant 16 : i32
        %mul3A_39 = arith.muli %scan3A_36, %mul3A_38 : i32
        %get3A = arith.index_cast %mul3A_39 : i32 to index
        %get3A_40 = tpu.vector_load %run_scoped3A[%get3A] {strides = array<i32>} : memref<10240xf32, #tpu.memory_space<vmem>>, vector<16xf32>,
        %gt3A = arith.constant 0.000000e+00 : f32
        %gt3A_41 = vector.broadcast %gt3A : f32 to vector<16xf32>
        %gt3A_42 = arith.cmpf ogt, %get3A_40, %gt3A_41 : vector<16xf32>
        %div3A = arith.constant 1.000000e+00 : f32
        %div3A_43 = vector.broadcast %div3A : f32 to vector<16xf32>
        %div3A_44 = arith.divf %div3A_43, %get3A_40 : vector<16xf32>
        %jit3A = arith.constant 1.000000e+00 : f32
        %broadcast_in_dim3A_45 = vector.broadcast %jit3A : f32 to vector<16xf32>
        %select_n3A = arith.select %gt3A_42, %div3A_44, %broadcast_in_dim3A_45 : vector<16xi1>, vector<16xf32>
        %swap3A = arith.index_cast %mul3A_39 : i32 to index
        %swap3A_46 = tpu.vector_load %run_scoped3A[%swap3A] {strides = array<i32>} : memref<10240xf32, #tpu.memory_space<vmem>>, vector<16xf32>,
        tpu.vector_store %run_scoped3A[%swap3A], %select_n3A {strides = array<i32>} : memref<10240xf32, #tpu.memory_space<vmem>>, vector<16xf32>,
        %scan3A_47 = arith.constant 0 : i32
        scf.yield %scan3A_47 : i32
      }
      %scan3A_24 = arith.constant 640 : i32
      %mul3A_25 = arith.constant 640 : i32
      %mul3A_26 = arith.muli %arg1, %mul3A_25 : i32
      %mul3A_27 = arith.constant 640 : i32
      %mul3A_28 = arith.muli %arg1, %mul3A_27 : i32
      "tpu.region"() ({
        %run_scoped3A_36 = tpu.sem_alloc : memref<!tpu.dma_semaphore, #tpu.memory_space<semaphore_mem>>
        %dma_start3A = tpu.memref_slice %arg10[%arg0, %mul3A_28] : memref<2x10240xf32, #tpu.memory_space<hbm>> -> memref<1x640xf32, #tpu.memory_space<hbm>>
        %dma_start3A_37 = tpu.memref_squeeze %dma_start3A : memref<1x640xf32, #tpu.memory_space<hbm>> -> memref<640xf32, #tpu.memory_space<hbm>>
        %dma_start3A_38 = tpu.memref_slice %arg21[%mul3A_26] : memref<10240xf32, #tpu.memory_space<vmem_shared>> -> memref<640xf32, #tpu.memory_space<vmem_shared>>
        tpu.enqueue_dma source(%dma_start3A_38 : memref<640xf32, #tpu.memory_space<vmem_shared>>) target(%dma_start3A_37 : memref<640xf32, #tpu.memory_space<hbm>>) target_semaphore(%run_scoped3A_36 : memref<!tpu.dma_semaphore, #tpu.memory_space<semaphore_mem>>)
        %dma_wait3A = tpu.memref_slice %arg10[%arg0, %mul3A_28] : memref<2x10240xf32, #tpu.memory_space<hbm>> -> memref<1x640xf32, #tpu.memory_space<hbm>>
        %dma_wait3A_39 = tpu.memref_squeeze %dma_wait3A : memref<1x640xf32, #tpu.memory_space<hbm>> -> memref<640xf32, #tpu.memory_space<hbm>>
        %dma_wait3A_40 = tpu.memref_slice %arg21[%mul3A_26] : memref<10240xf32, #tpu.memory_space<vmem_shared>> -> memref<640xf32, #tpu.memory_space<vmem_shared>>
        tpu.wait_dma2 semaphore(%run_scoped3A_36 : memref<!tpu.dma_semaphore, #tpu.memory_space<semaphore_mem>>) src(%dma_wait3A_40 : memref<640xf32, #tpu.memory_space<vmem_shared>>) dst(%dma_wait3A_39 : memref<640xf32, #tpu.memory_space<hbm>>)
        tpu.yield
      }) : () -> ()
      %scan3A_29 = arith.constant 0 : i32
      %scan3A_30 = arith.constant 0 : i32
      %scan3A_31 = arith.constant 5 : i32
      %scan3A_32 = arith.addi %scan3A_30, %scan3A_31 : i32
      %scan3A_33 = arith.constant 1 : i32
      %scan3A_34 = scf.for %scan3A_36 = %scan3A_30 to %scan3A_32 step %scan3A_33 iter_args(%scan3A_37 = %scan3A_29) -> (i32)  : i32 {
        %mul3A_38 = arith.constant 2000 : i32
        %mul3A_39 = arith.muli %scan3A_36, %mul3A_38 : i32
        %add3A_40 = arith.addi %mul3A_2, %mul3A_39 : i32
        %jit3A = arith.constant 80 : i32
        %div3A = arith.divsi %add3A_40, %jit3A : i32
        %sign3A = arith.constant 0 : i32
        %sign3A_41 = arith.cmpi sgt, %add3A_40, %sign3A : i32
        %sign3A_42 = arith.extui %sign3A_41 : i1 to i32
        %sign3A_43 = arith.constant 0 : i32
        %sign3A_44 = arith.cmpi slt, %add3A_40, %sign3A_43 : i32
        %sign3A_45 = arith.extui %sign3A_44 : i1 to i32
        %sign3A_46 = arith.subi %sign3A_42, %sign3A_45 : i32
        %sign3A_47 = arith.constant 0 : i32
        %sign3A_48 = arith.cmpi sgt, %jit3A, %sign3A_47 : i32
        %sign3A_49 = arith.extui %sign3A_48 : i1 to i32
        %sign3A_50 = arith.constant 0 : i32
        %sign3A_51 = arith.cmpi slt, %jit3A, %sign3A_50 : i32
        %sign3A_52 = arith.extui %sign3A_51 : i1 to i32
        %sign3A_53 = arith.subi %sign3A_49, %sign3A_52 : i32
        %ne3A = arith.cmpi ne, %sign3A_46, %sign3A_53 : i32
        %rem3A = arith.remsi %add3A_40, %jit3A : i32
        %ne3A_54 = arith.constant 0 : i32
        %ne3A_55 = arith.cmpi ne, %rem3A, %ne3A_54 : i32
        %and3A = arith.andi %ne3A, %ne3A_55 : i1
        %sub3A_56 = arith.constant 1 : i32
        %sub3A_57 = arith.subi %div3A, %sub3A_56 : i32
        %select_n3A = arith.select %and3A, %sub3A_57, %div3A : i32
        "tpu.region"() ({
          %run_scoped3A_66 = tpu.sem_alloc : memref<!tpu.dma_semaphore, #tpu.memory_space<semaphore_mem>>
          %dma_start3A = arith.constant 0 : i32
          %dma_start3A_67 = tpu.memref_slice %arg3[%select_n3A, %dma_start3A] : memref<4000x80xi32, #tpu.memory_space<hbm>> -> memref<25x80xi32, #tpu.memory_space<hbm>>
          %dma_start3A_68 = arith.constant 0 : i32
          %dma_start3A_69 = tpu.memref_slice %arg3[%select_n3A, %dma_start3A_68] : memref<4000x80xi32, #tpu.memory_space<hbm>> -> memref<25x80xi32, #tpu.memory_space<hbm>>
          tpu.enqueue_dma source(%dma_start3A_69 : memref<25x80xi32, #tpu.memory_space<hbm>>) target(%arg13 : memref<25x80xi32, #tpu.memory_space<vmem>>) target_semaphore(%run_scoped3A_66 : memref<!tpu.dma_semaphore, #tpu.memory_space<semaphore_mem>>)
          %dma_wait3A = arith.constant 0 : i32
          %dma_wait3A_70 = tpu.memref_slice %arg3[%select_n3A, %dma_wait3A] : memref<4000x80xi32, #tpu.memory_space<hbm>> -> memref<25x80xi32, #tpu.memory_space<hbm>>
          %dma_wait3A_71 = arith.constant 0 : i32
          %dma_wait3A_72 = tpu.memref_slice %arg3[%select_n3A, %dma_wait3A_71] : memref<4000x80xi32, #tpu.memory_space<hbm>> -> memref<25x80xi32, #tpu.memory_space<hbm>>
          tpu.wait_dma2 semaphore(%run_scoped3A_66 : memref<!tpu.dma_semaphore, #tpu.memory_space<semaphore_mem>>) src(%dma_wait3A_72 : memref<25x80xi32, #tpu.memory_space<hbm>>) dst(%arg13 : memref<25x80xi32, #tpu.memory_space<vmem>>)
          tpu.yield
        }) : () -> ()
        %scan3A_58 = arith.constant 0 : i32
        %scan3A_59 = arith.constant 0 : i32
        %scan3A_60 = arith.constant 25 : i32
        %scan3A_61 = arith.addi %scan3A_59, %scan3A_60 : i32
        %scan3A_62 = arith.constant 1 : i32
        %scan3A_63 = scf.for %scan3A_66 = %scan3A_59 to %scan3A_61 step %scan3A_62 iter_args(%scan3A_67 = %scan3A_58) -> (i32)  : i32 {
          %get3A = arith.index_cast %scan3A_66 : i32 to index
          %get3A_68 = arith.constant 0 : index
          %get3A_69 = tpu.vector_load %arg13[%get3A, %get3A_68] {strides = array<i32>} : memref<25x80xi32, #tpu.memory_space<vmem>>, vector<16xi32>,
          %gather3A = tpu.vector_load_idx %run_scoped3A[%get3A_69] : memref<10240xf32, #tpu.memory_space<vmem>>[vector<16xi32>], vector<16xf32>,
          %mul3A_70 = arith.constant 2000 : i32
          %mul3A_71 = arith.muli %scan3A_36, %mul3A_70 : i32
          %mul3A_72 = arith.constant 80 : i32
          %mul3A_73 = arith.muli %scan3A_66, %mul3A_72 : i32
          %add3A_74 = arith.addi %mul3A_71, %mul3A_73 : i32
          %add3A_75 = arith.constant 0 : i32
          %add3A_76 = arith.addi %add3A_74, %add3A_75 : i32
          %get3A_77 = arith.index_cast %add3A_76 : i32 to index
          %get3A_78 = tpu.vector_load %arg11[%get3A_77] {strides = array<i32>} : memref<10016xf32, #tpu.memory_space<vmem>>, vector<16xf32>,
          %mul3A_79 = arith.mulf %get3A_78, %gather3A : vector<16xf32>
          %swap3A = arith.index_cast %add3A_76 : i32 to index
          %swap3A_80 = tpu.vector_load %arg11[%swap3A] {strides = array<i32>} : memref<10016xf32, #tpu.memory_space<vmem>>, vector<16xf32>,
          tpu.vector_store %arg11[%swap3A], %mul3A_79 {strides = array<i32>} : memref<10016xf32, #tpu.memory_space<vmem>>, vector<16xf32>,
          %get3A_81 = arith.index_cast %scan3A_66 : i32 to index
          %get3A_82 = arith.constant 16 : index
          %get3A_83 = tpu.vector_load %arg13[%get3A_81, %get3A_82] {strides = array<i32>} : memref<25x80xi32, #tpu.memory_space<vmem>>, vector<16xi32>,
          %gather3A_84 = tpu.vector_load_idx %run_scoped3A[%get3A_83] : memref<10240xf32, #tpu.memory_space<vmem>>[vector<16xi32>], vector<16xf32>,
          %mul3A_85 = arith.constant 2000 : i32
          %mul3A_86 = arith.muli %scan3A_36, %mul3A_85 : i32
          %mul3A_87 = arith.constant 80 : i32
          %mul3A_88 = arith.muli %scan3A_66, %mul3A_87 : i32
          %add3A_89 = arith.addi %mul3A_86, %mul3A_88 : i32
          %add3A_90 = arith.constant 16 : i32
          %add3A_91 = arith.addi %add3A_89, %add3A_90 : i32
          %get3A_92 = arith.index_cast %add3A_91 : i32 to index
          %get3A_93 = tpu.vector_load %arg11[%get3A_92] {strides = array<i32>} : memref<10016xf32, #tpu.memory_space<vmem>>, vector<16xf32>,
          %mul3A_94 = arith.mulf %get3A_93, %gather3A_84 : vector<16xf32>
          %swap3A_95 = arith.index_cast %add3A_91 : i32 to index
          %swap3A_96 = tpu.vector_load %arg11[%swap3A_95] {strides = array<i32>} : memref<10016xf32, #tpu.memory_space<vmem>>, vector<16xf32>,
          tpu.vector_store %arg11[%swap3A_95], %mul3A_94 {strides = array<i32>} : memref<10016xf32, #tpu.memory_space<vmem>>, vector<16xf32>,
          %get3A_97 = arith.index_cast %scan3A_66 : i32 to index
          %get3A_98 = arith.constant 32 : index
          %get3A_99 = tpu.vector_load %arg13[%get3A_97, %get3A_98] {strides = array<i32>} : memref<25x80xi32, #tpu.memory_space<vmem>>, vector<16xi32>,
          %gather3A_100 = tpu.vector_load_idx %run_scoped3A[%get3A_99] : memref<10240xf32, #tpu.memory_space<vmem>>[vector<16xi32>], vector<16xf32>,
          %mul3A_101 = arith.constant 2000 : i32
          %mul3A_102 = arith.muli %scan3A_36, %mul3A_101 : i32
          %mul3A_103 = arith.constant 80 : i32
          %mul3A_104 = arith.muli %scan3A_66, %mul3A_103 : i32
          %add3A_105 = arith.addi %mul3A_102, %mul3A_104 : i32
          %add3A_106 = arith.constant 32 : i32
          %add3A_107 = arith.addi %add3A_105, %add3A_106 : i32
          %get3A_108 = arith.index_cast %add3A_107 : i32 to index
          %get3A_109 = tpu.vector_load %arg11[%get3A_108] {strides = array<i32>} : memref<10016xf32, #tpu.memory_space<vmem>>, vector<16xf32>,
          %mul3A_110 = arith.mulf %get3A_109, %gather3A_100 : vector<16xf32>
          %swap3A_111 = arith.index_cast %add3A_107 : i32 to index
          %swap3A_112 = tpu.vector_load %arg11[%swap3A_111] {strides = array<i32>} : memref<10016xf32, #tpu.memory_space<vmem>>, vector<16xf32>,
          tpu.vector_store %arg11[%swap3A_111], %mul3A_110 {strides = array<i32>} : memref<10016xf32, #tpu.memory_space<vmem>>, vector<16xf32>,
          %get3A_113 = arith.index_cast %scan3A_66 : i32 to index
          %get3A_114 = arith.constant 48 : index
          %get3A_115 = tpu.vector_load %arg13[%get3A_113, %get3A_114] {strides = array<i32>} : memref<25x80xi32, #tpu.memory_space<vmem>>, vector<16xi32>,
          %gather3A_116 = tpu.vector_load_idx %run_scoped3A[%get3A_115] : memref<10240xf32, #tpu.memory_space<vmem>>[vector<16xi32>], vector<16xf32>,
          %mul3A_117 = arith.constant 2000 : i32
          %mul3A_118 = arith.muli %scan3A_36, %mul3A_117 : i32
          %mul3A_119 = arith.constant 80 : i32
          %mul3A_120 = arith.muli %scan3A_66, %mul3A_119 : i32
          %add3A_121 = arith.addi %mul3A_118, %mul3A_120 : i32
          %add3A_122 = arith.constant 48 : i32
          %add3A_123 = arith.addi %add3A_121, %add3A_122 : i32
          %get3A_124 = arith.index_cast %add3A_123 : i32 to index
          %get3A_125 = tpu.vector_load %arg11[%get3A_124] {strides = array<i32>} : memref<10016xf32, #tpu.memory_space<vmem>>, vector<16xf32>,
          %mul3A_126 = arith.mulf %get3A_125, %gather3A_116 : vector<16xf32>
          %swap3A_127 = arith.index_cast %add3A_123 : i32 to index
          %swap3A_128 = tpu.vector_load %arg11[%swap3A_127] {strides = array<i32>} : memref<10016xf32, #tpu.memory_space<vmem>>, vector<16xf32>,
          tpu.vector_store %arg11[%swap3A_127], %mul3A_126 {strides = array<i32>} : memref<10016xf32, #tpu.memory_space<vmem>>, vector<16xf32>,
          %get3A_129 = arith.index_cast %scan3A_66 : i32 to index
          %get3A_130 = arith.constant 64 : index
          %get3A_131 = tpu.vector_load %arg13[%get3A_129, %get3A_130] {strides = array<i32>} : memref<25x80xi32, #tpu.memory_space<vmem>>, vector<16xi32>,
          %gather3A_132 = tpu.vector_load_idx %run_scoped3A[%get3A_131] : memref<10240xf32, #tpu.memory_space<vmem>>[vector<16xi32>], vector<16xf32>,
          %mul3A_133 = arith.constant 2000 : i32
          %mul3A_134 = arith.muli %scan3A_36, %mul3A_133 : i32
          %mul3A_135 = arith.constant 80 : i32
          %mul3A_136 = arith.muli %scan3A_66, %mul3A_135 : i32
          %add3A_137 = arith.addi %mul3A_134, %mul3A_136 : i32
          %add3A_138 = arith.constant 64 : i32
          %add3A_139 = arith.addi %add3A_137, %add3A_138 : i32
          %get3A_140 = arith.index_cast %add3A_139 : i32 to index
          %get3A_141 = tpu.vector_load %arg11[%get3A_140] {strides = array<i32>} : memref<10016xf32, #tpu.memory_space<vmem>>, vector<16xf32>,
          %mul3A_142 = arith.mulf %get3A_141, %gather3A_132 : vector<16xf32>
          %swap3A_143 = arith.index_cast %add3A_139 : i32 to index
          %swap3A_144 = tpu.vector_load %arg11[%swap3A_143] {strides = array<i32>} : memref<10016xf32, #tpu.memory_space<vmem>>, vector<16xf32>,
          tpu.vector_store %arg11[%swap3A_143], %mul3A_142 {strides = array<i32>} : memref<10016xf32, #tpu.memory_space<vmem>>, vector<16xf32>,
          %scan3A_145 = arith.constant 0 : i32
          scf.yield %scan3A_145 : i32
        }
        %scan3A_64 = arith.constant 25 : i32
        %scan3A_65 = arith.constant 0 : i32
        scf.yield %scan3A_65 : i32
      }
      %scan3A_35 = arith.constant 5 : i32
      tpu.yield
    }) : () -> ()
    "tpu.region"() ({
      %run_scoped3A = memref.alloca() : memref<80x128xf32, #tpu.memory_space<vmem>>
      %run_scoped3A_18 = memref.alloca() : memref<80x128xf32, #tpu.memory_space<vmem>>
      %scan3A_19 = arith.constant 0 : i32
      %scan3A_20 = arith.constant 0 : i32
      %scan3A_21 = arith.constant 80 : i32
      %scan3A_22 = arith.addi %scan3A_20, %scan3A_21 : i32
      %scan3A_23 = arith.constant 1 : i32
      %scan3A_24 = scf.for %scan3A_48 = %scan3A_20 to %scan3A_22 step %scan3A_23 iter_args(%scan3A_49 = %scan3A_19) -> (i32)  : i32 {
        %swap3A = arith.index_cast %scan3A_48 : i32 to index
        %swap3A_50 = arith.constant 0 : index
        %swap3A_51 = tpu.vector_load %run_scoped3A[%swap3A, %swap3A_50] {strides = array<i32>} : memref<80x128xf32, #tpu.memory_space<vmem>>, vector<16xf32>,
        tpu.vector_store %run_scoped3A[%swap3A, %swap3A_50], %broadcast_in_dim3A_9 {strides = array<i32>} : memref<80x128xf32, #tpu.memory_space<vmem>>, vector<16xf32>,
        %swap3A_52 = arith.index_cast %scan3A_48 : i32 to index
        %swap3A_53 = arith.constant 16 : index
        %swap3A_54 = tpu.vector_load %run_scoped3A[%swap3A_52, %swap3A_53] {strides = array<i32>} : memref<80x128xf32, #tpu.memory_space<vmem>>, vector<16xf32>,
        tpu.vector_store %run_scoped3A[%swap3A_52, %swap3A_53], %broadcast_in_dim3A_9 {strides = array<i32>} : memref<80x128xf32, #tpu.memory_space<vmem>>, vector<16xf32>,
        %swap3A_55 = arith.index_cast %scan3A_48 : i32 to index
        %swap3A_56 = arith.constant 32 : index
        %swap3A_57 = tpu.vector_load %run_scoped3A[%swap3A_55, %swap3A_56] {strides = array<i32>} : memref<80x128xf32, #tpu.memory_space<vmem>>, vector<16xf32>,
        tpu.vector_store %run_scoped3A[%swap3A_55, %swap3A_56], %broadcast_in_dim3A_9 {strides = array<i32>} : memref<80x128xf32, #tpu.memory_space<vmem>>, vector<16xf32>,
        %swap3A_58 = arith.index_cast %scan3A_48 : i32 to index
        %swap3A_59 = arith.constant 48 : index
        %swap3A_60 = tpu.vector_load %run_scoped3A[%swap3A_58, %swap3A_59] {strides = array<i32>} : memref<80x128xf32, #tpu.memory_space<vmem>>, vector<16xf32>,
        tpu.vector_store %run_scoped3A[%swap3A_58, %swap3A_59], %broadcast_in_dim3A_9 {strides = array<i32>} : memref<80x128xf32, #tpu.memory_space<vmem>>, vector<16xf32>,
        %swap3A_61 = arith.index_cast %scan3A_48 : i32 to index
        %swap3A_62 = arith.constant 64 : index
        %swap3A_63 = tpu.vector_load %run_scoped3A[%swap3A_61, %swap3A_62] {strides = array<i32>} : memref<80x128xf32, #tpu.memory_space<vmem>>, vector<16xf32>,
        tpu.vector_store %run_scoped3A[%swap3A_61, %swap3A_62], %broadcast_in_dim3A_9 {strides = array<i32>} : memref<80x128xf32, #tpu.memory_space<vmem>>, vector<16xf32>,
        %swap3A_64 = arith.index_cast %scan3A_48 : i32 to index
        %swap3A_65 = arith.constant 80 : index
        %swap3A_66 = tpu.vector_load %run_scoped3A[%swap3A_64, %swap3A_65] {strides = array<i32>} : memref<80x128xf32, #tpu.memory_space<vmem>>, vector<16xf32>,
        tpu.vector_store %run_scoped3A[%swap3A_64, %swap3A_65], %broadcast_in_dim3A_9 {strides = array<i32>} : memref<80x128xf32, #tpu.memory_space<vmem>>, vector<16xf32>,
        %swap3A_67 = arith.index_cast %scan3A_48 : i32 to index
        %swap3A_68 = arith.constant 96 : index
        %swap3A_69 = tpu.vector_load %run_scoped3A[%swap3A_67, %swap3A_68] {strides = array<i32>} : memref<80x128xf32, #tpu.memory_space<vmem>>, vector<16xf32>,
        tpu.vector_store %run_scoped3A[%swap3A_67, %swap3A_68], %broadcast_in_dim3A_9 {strides = array<i32>} : memref<80x128xf32, #tpu.memory_space<vmem>>, vector<16xf32>,
        %swap3A_70 = arith.index_cast %scan3A_48 : i32 to index
        %swap3A_71 = arith.constant 112 : index
        %swap3A_72 = tpu.vector_load %run_scoped3A[%swap3A_70, %swap3A_71] {strides = array<i32>} : memref<80x128xf32, #tpu.memory_space<vmem>>, vector<16xf32>,
        tpu.vector_store %run_scoped3A[%swap3A_70, %swap3A_71], %broadcast_in_dim3A_9 {strides = array<i32>} : memref<80x128xf32, #tpu.memory_space<vmem>>, vector<16xf32>,
        %scan3A_73 = arith.constant 0 : i32
        scf.yield %scan3A_73 : i32
      }
      %scan3A_25 = arith.constant 80 : i32
      %scan3A_26 = arith.constant 0 : i32
      %scan3A_27 = arith.constant 0 : i32
      %scan3A_28 = arith.constant 8 : i32
      %scan3A_29 = arith.addi %scan3A_27, %scan3A_28 : i32
      %scan3A_30 = arith.constant 1 : i32
      %scan3A_31 = scf.for %scan3A_48 = %scan3A_27 to %scan3A_29 step %scan3A_30 iter_args(%scan3A_49 = %scan3A_26) -> (i32)  : i32 {
        %mul3A_50 = arith.constant 640 : i32
        %mul3A_51 = arith.muli %arg1, %mul3A_50 : i32
        %mul3A_52 = arith.constant 80 : i32
        %mul3A_53 = arith.muli %scan3A_48, %mul3A_52 : i32
        %add3A_54 = arith.addi %mul3A_51, %mul3A_53 : i32
        "tpu.region"() ({
          %run_scoped3A_56 = tpu.sem_alloc : memref<!tpu.dma_semaphore, #tpu.memory_space<semaphore_mem>>
          %dma_start3A = arith.constant 0 : i32
          %dma_start3A_57 = tpu.memref_slice %arg22[%add3A_54, %dma_start3A] : memref<10240x128xf32, #tpu.memory_space<vmem_shared>> -> memref<80x128xf32, #tpu.memory_space<vmem_shared>>
          %dma_start3A_58 = arith.constant 0 : i32
          %dma_start3A_59 = tpu.memref_slice %arg22[%add3A_54, %dma_start3A_58] : memref<10240x128xf32, #tpu.memory_space<vmem_shared>> -> memref<80x128xf32, #tpu.memory_space<vmem_shared>>
          tpu.enqueue_dma source(%run_scoped3A : memref<80x128xf32, #tpu.memory_space<vmem>>) target(%dma_start3A_59 : memref<80x128xf32, #tpu.memory_space<vmem_shared>>) target_semaphore(%run_scoped3A_56 : memref<!tpu.dma_semaphore, #tpu.memory_space<semaphore_mem>>)
          %dma_wait3A = arith.constant 0 : i32
          %dma_wait3A_60 = tpu.memref_slice %arg22[%add3A_54, %dma_wait3A] : memref<10240x128xf32, #tpu.memory_space<vmem_shared>> -> memref<80x128xf32, #tpu.memory_space<vmem_shared>>
          %dma_wait3A_61 = arith.constant 0 : i32
          %dma_wait3A_62 = tpu.memref_slice %arg22[%add3A_54, %dma_wait3A_61] : memref<10240x128xf32, #tpu.memory_space<vmem_shared>> -> memref<80x128xf32, #tpu.memory_space<vmem_shared>>
          tpu.wait_dma2 semaphore(%run_scoped3A_56 : memref<!tpu.dma_semaphore, #tpu.memory_space<semaphore_mem>>) src(%run_scoped3A : memref<80x128xf32, #tpu.memory_space<vmem>>) dst(%dma_wait3A_62 : memref<80x128xf32, #tpu.memory_space<vmem_shared>>)
          tpu.yield
        }) : () -> ()
        %scan3A_55 = arith.constant 0 : i32
        scf.yield %scan3A_55 : i32
      }
      %scan3A_32 = arith.constant 8 : i32
      %barrier3A_33 = arith.constant 0 : index
      tpu.barrier barrier_id(%barrier3A_33)
      %mul3A_34 = arith.constant 125 : i32
      %mul3A_35 = arith.muli %add3A, %mul3A_34 : i32
      %scan3A_36 = arith.constant 0 : i32
      %scan3A_37 = arith.constant 0 : i32
      %scan3A_38 = arith.constant 125 : i32
      %scan3A_39 = arith.addi %scan3A_37, %scan3A_38 : i32
      %scan3A_40 = arith.constant 1 : i32
      %scan3A_41 = scf.for %scan3A_48 = %scan3A_37 to %scan3A_39 step %scan3A_40 iter_args(%scan3A_49 = %scan3A_36) -> (i32)  : i32 {
        %mul3A_50 = arith.constant 80 : i32
        %mul3A_51 = arith.muli %scan3A_48, %mul3A_50 : i32
        %add3A_52 = arith.addi %mul3A_2, %mul3A_51 : i32
        %add3A_53 = arith.addi %mul3A_35, %scan3A_48 : i32
        "tpu.region"() ({
          %run_scoped3A_63 = tpu.sem_alloc : memref<!tpu.dma_semaphore, #tpu.memory_space<semaphore_mem>>
          %dma_start3A = arith.constant 0 : i32
          %dma_start3A_64 = tpu.memref_slice %arg2[%add3A_53, %dma_start3A] : memref<4000x80xi32, #tpu.memory_space<hbm>> -> memref<1x80xi32, #tpu.memory_space<hbm>>
          %dma_start3A_65 = tpu.memref_squeeze %dma_start3A_64 : memref<1x80xi32, #tpu.memory_space<hbm>> -> memref<80xi32, #tpu.memory_space<hbm>>
          %dma_start3A_66 = arith.constant 0 : i32
          %dma_start3A_67 = tpu.memref_slice %arg2[%add3A_53, %dma_start3A_66] : memref<4000x80xi32, #tpu.memory_space<hbm>> -> memref<1x80xi32, #tpu.memory_space<hbm>>
          %dma_start3A_68 = tpu.memref_squeeze %dma_start3A_67 : memref<1x80xi32, #tpu.memory_space<hbm>> -> memref<80xi32, #tpu.memory_space<hbm>>
          tpu.enqueue_dma source(%dma_start3A_68 : memref<80xi32, #tpu.memory_space<hbm>>) target(%arg15 : memref<80xi32, #tpu.memory_space<vmem>>) target_semaphore(%run_scoped3A_63 : memref<!tpu.dma_semaphore, #tpu.memory_space<semaphore_mem>>)
          %dma_wait3A = arith.constant 0 : i32
          %dma_wait3A_69 = tpu.memref_slice %arg2[%add3A_53, %dma_wait3A] : memref<4000x80xi32, #tpu.memory_space<hbm>> -> memref<1x80xi32, #tpu.memory_space<hbm>>
          %dma_wait3A_70 = tpu.memref_squeeze %dma_wait3A_69 : memref<1x80xi32, #tpu.memory_space<hbm>> -> memref<80xi32, #tpu.memory_space<hbm>>
          %dma_wait3A_71 = arith.constant 0 : i32
          %dma_wait3A_72 = tpu.memref_slice %arg2[%add3A_53, %dma_wait3A_71] : memref<4000x80xi32, #tpu.memory_space<hbm>> -> memref<1x80xi32, #tpu.memory_space<hbm>>
          %dma_wait3A_73 = tpu.memref_squeeze %dma_wait3A_72 : memref<1x80xi32, #tpu.memory_space<hbm>> -> memref<80xi32, #tpu.memory_space<hbm>>
          tpu.wait_dma2 semaphore(%run_scoped3A_63 : memref<!tpu.dma_semaphore, #tpu.memory_space<semaphore_mem>>) src(%dma_wait3A_73 : memref<80xi32, #tpu.memory_space<hbm>>) dst(%arg15 : memref<80xi32, #tpu.memory_space<vmem>>)
          tpu.yield
        }) : () -> ()
        %add3A_54 = arith.addi %mul3A_35, %scan3A_48 : i32
        "tpu.region"() ({
          %run_scoped3A_63 = tpu.sem_alloc : memref<!tpu.dma_semaphore, #tpu.memory_space<semaphore_mem>>
          %dma_start3A = arith.constant 0 : i32
          %dma_start3A_64 = tpu.memref_slice %arg3[%add3A_54, %dma_start3A] : memref<4000x80xi32, #tpu.memory_space<hbm>> -> memref<1x80xi32, #tpu.memory_space<hbm>>
          %dma_start3A_65 = tpu.memref_squeeze %dma_start3A_64 : memref<1x80xi32, #tpu.memory_space<hbm>> -> memref<80xi32, #tpu.memory_space<hbm>>
          %dma_start3A_66 = arith.constant 0 : i32
          %dma_start3A_67 = tpu.memref_slice %arg3[%add3A_54, %dma_start3A_66] : memref<4000x80xi32, #tpu.memory_space<hbm>> -> memref<1x80xi32, #tpu.memory_space<hbm>>
          %dma_start3A_68 = tpu.memref_squeeze %dma_start3A_67 : memref<1x80xi32, #tpu.memory_space<hbm>> -> memref<80xi32, #tpu.memory_space<hbm>>
          tpu.enqueue_dma source(%dma_start3A_68 : memref<80xi32, #tpu.memory_space<hbm>>) target(%arg16 : memref<80xi32, #tpu.memory_space<vmem>>) target_semaphore(%run_scoped3A_63 : memref<!tpu.dma_semaphore, #tpu.memory_space<semaphore_mem>>)
          %dma_wait3A = arith.constant 0 : i32
          %dma_wait3A_69 = tpu.memref_slice %arg3[%add3A_54, %dma_wait3A] : memref<4000x80xi32, #tpu.memory_space<hbm>> -> memref<1x80xi32, #tpu.memory_space<hbm>>
          %dma_wait3A_70 = tpu.memref_squeeze %dma_wait3A_69 : memref<1x80xi32, #tpu.memory_space<hbm>> -> memref<80xi32, #tpu.memory_space<hbm>>
          %dma_wait3A_71 = arith.constant 0 : i32
          %dma_wait3A_72 = tpu.memref_slice %arg3[%add3A_54, %dma_wait3A_71] : memref<4000x80xi32, #tpu.memory_space<hbm>> -> memref<1x80xi32, #tpu.memory_space<hbm>>
          %dma_wait3A_73 = tpu.memref_squeeze %dma_wait3A_72 : memref<1x80xi32, #tpu.memory_space<hbm>> -> memref<80xi32, #tpu.memory_space<hbm>>
          tpu.wait_dma2 semaphore(%run_scoped3A_63 : memref<!tpu.dma_semaphore, #tpu.memory_space<semaphore_mem>>) src(%dma_wait3A_73 : memref<80xi32, #tpu.memory_space<hbm>>) dst(%arg16 : memref<80xi32, #tpu.memory_space<vmem>>)
          tpu.yield
        }) : () -> ()
        "tpu.region"() ({
          %run_scoped3A_63 = tpu.sem_alloc : memref<!tpu.dma_semaphore, #tpu.memory_space<semaphore_mem>>
          %dma_start3A = arith.constant 0 : i32
          %dma_start3A_64 = tpu.memref_slice %arg8[%add3A_52, %dma_start3A] : memref<320000x128xf32, #tpu.memory_space<hbm>> -> memref<80x128xf32, #tpu.memory_space<hbm>>
          %dma_start3A_65 = arith.constant 0 : i32
          %dma_start3A_66 = tpu.memref_slice %arg8[%add3A_52, %dma_start3A_65] : memref<320000x128xf32, #tpu.memory_space<hbm>> -> memref<80x128xf32, #tpu.memory_space<hbm>>
          tpu.enqueue_dma source(%dma_start3A_66 : memref<80x128xf32, #tpu.memory_space<hbm>>) target(%run_scoped3A_18 : memref<80x128xf32, #tpu.memory_space<vmem>>) target_semaphore(%run_scoped3A_63 : memref<!tpu.dma_semaphore, #tpu.memory_space<semaphore_mem>>)
          %dma_wait3A = arith.constant 0 : i32
          %dma_wait3A_67 = tpu.memref_slice %arg8[%add3A_52, %dma_wait3A] : memref<320000x128xf32, #tpu.memory_space<hbm>> -> memref<80x128xf32, #tpu.memory_space<hbm>>
          %dma_wait3A_68 = arith.constant 0 : i32
          %dma_wait3A_69 = tpu.memref_slice %arg8[%add3A_52, %dma_wait3A_68] : memref<320000x128xf32, #tpu.memory_space<hbm>> -> memref<80x128xf32, #tpu.memory_space<hbm>>
          tpu.wait_dma2 semaphore(%run_scoped3A_63 : memref<!tpu.dma_semaphore, #tpu.memory_space<semaphore_mem>>) src(%dma_wait3A_69 : memref<80x128xf32, #tpu.memory_space<hbm>>) dst(%run_scoped3A_18 : memref<80x128xf32, #tpu.memory_space<vmem>>)
          tpu.yield
        }) : () -> ()
        "tpu.region"() ({
          %run_scoped3A_63 = tpu.sem_alloc : memref<!tpu.dma_semaphore, #tpu.memory_space<semaphore_mem>>
          %dma_start3A = arith.constant 0 : i32
          %dma_start3A_64 = arith.constant 0 : i32
          %dma_start3A_65 = tpu.memref_slice %arg7[%dma_start3A, %dma_start3A_64] : memref<10000x128xf32, #tpu.memory_space<hbm>> -> memref<10000x128xf32, #tpu.memory_space<hbm>>
          tpu.enqueue_indirect_dma source(%dma_start3A_65 : memref<10000x128xf32, #tpu.memory_space<hbm>>) target(%run_scoped3A : memref<80x128xf32, #tpu.memory_space<vmem>>) offsets(%arg15 : memref<80xi32, #tpu.memory_space<vmem>>) semaphore(%run_scoped3A_63 : memref<!tpu.dma_semaphore, #tpu.memory_space<semaphore_mem>>)
          %dma_wait3A = arith.constant 0 : i32
          %dma_wait3A_66 = arith.constant 0 : i32
          %dma_wait3A_67 = tpu.memref_slice %arg7[%dma_wait3A, %dma_wait3A_66] : memref<10000x128xf32, #tpu.memory_space<hbm>> -> memref<10000x128xf32, #tpu.memory_space<hbm>>
          tpu.wait_indirect_dma semaphore(%run_scoped3A_63 : memref<!tpu.dma_semaphore, #tpu.memory_space<semaphore_mem>>) src(%dma_wait3A_67 : memref<10000x128xf32, #tpu.memory_space<hbm>>) dst(%run_scoped3A : memref<80x128xf32, #tpu.memory_space<vmem>>)
          tpu.yield
        }) : () -> ()
        %scan3A_55 = arith.constant 0 : i32
        %scan3A_56 = arith.constant 0 : i32
        %scan3A_57 = arith.constant 80 : i32
        %scan3A_58 = arith.addi %scan3A_56, %scan3A_57 : i32
        %scan3A_59 = arith.constant 1 : i32
        %scan3A_60 = scf.for %scan3A_63 = %scan3A_56 to %scan3A_58 step %scan3A_59 iter_args(%scan3A_64 = %scan3A_55) -> (i32)  : i32 {
          %mul3A_65 = arith.constant 80 : i32
          %mul3A_66 = arith.muli %scan3A_48, %mul3A_65 : i32
          %add3A_67 = arith.addi %mul3A_66, %scan3A_63 : i32
          %get3A = arith.index_cast %add3A_67 : i32 to index
          %get3A_68 = tpu.vector_load %arg11[%get3A] {strides = array<i32>} : memref<10016xf32, #tpu.memory_space<vmem>>, vector<16xf32>,
          %slice3A = vector.extract_strided_slice %get3A_68 {offsets = [0], sizes = [1], strides = [1]} : vector<16xf32> to vector<1xf32>
          %squeeze3A = vector.extract %slice3A[0] : f32 from vector<1xf32>
          %get3A_69 = arith.index_cast %scan3A_63 : i32 to index
          %get3A_70 = arith.constant 0 : index
          %get3A_71 = tpu.vector_load %run_scoped3A[%get3A_69, %get3A_70] {strides = array<i32>} : memref<80x128xf32, #tpu.memory_space<vmem>>, vector<16xf32>,
          %get3A_72 = arith.index_cast %scan3A_63 : i32 to index
          %get3A_73 = arith.constant 0 : index
          %get3A_74 = tpu.vector_load %run_scoped3A_18[%get3A_72, %get3A_73] {strides = array<i32>} : memref<80x128xf32, #tpu.memory_space<vmem>>, vector<16xf32>,
          %add3A_75 = arith.addf %get3A_71, %get3A_74 : vector<16xf32>
          %mul3A_76 = vector.broadcast %squeeze3A : f32 to vector<16xf32>
          %mul3A_77 = arith.mulf %mul3A_76, %add3A_75 : vector<16xf32>
          %swap3A = arith.index_cast %scan3A_63 : i32 to index
          %swap3A_78 = arith.constant 0 : index
          %swap3A_79 = tpu.vector_load %run_scoped3A_18[%swap3A, %swap3A_78] {strides = array<i32>} : memref<80x128xf32, #tpu.memory_space<vmem>>, vector<16xf32>,
          tpu.vector_store %run_scoped3A_18[%swap3A, %swap3A_78], %mul3A_77 {strides = array<i32>} : memref<80x128xf32, #tpu.memory_space<vmem>>, vector<16xf32>,
          %get3A_80 = arith.index_cast %scan3A_63 : i32 to index
          %get3A_81 = arith.constant 16 : index
          %get3A_82 = tpu.vector_load %run_scoped3A[%get3A_80, %get3A_81] {strides = array<i32>} : memref<80x128xf32, #tpu.memory_space<vmem>>, vector<16xf32>,
          %get3A_83 = arith.index_cast %scan3A_63 : i32 to index
          %get3A_84 = arith.constant 16 : index
          %get3A_85 = tpu.vector_load %run_scoped3A_18[%get3A_83, %get3A_84] {strides = array<i32>} : memref<80x128xf32, #tpu.memory_space<vmem>>, vector<16xf32>,
          %add3A_86 = arith.addf %get3A_82, %get3A_85 : vector<16xf32>
          %mul3A_87 = vector.broadcast %squeeze3A : f32 to vector<16xf32>
          %mul3A_88 = arith.mulf %mul3A_87, %add3A_86 : vector<16xf32>
          %swap3A_89 = arith.index_cast %scan3A_63 : i32 to index
          %swap3A_90 = arith.constant 16 : index
          %swap3A_91 = tpu.vector_load %run_scoped3A_18[%swap3A_89, %swap3A_90] {strides = array<i32>} : memref<80x128xf32, #tpu.memory_space<vmem>>, vector<16xf32>,
          tpu.vector_store %run_scoped3A_18[%swap3A_89, %swap3A_90], %mul3A_88 {strides = array<i32>} : memref<80x128xf32, #tpu.memory_space<vmem>>, vector<16xf32>,
          %get3A_92 = arith.index_cast %scan3A_63 : i32 to index
          %get3A_93 = arith.constant 32 : index
          %get3A_94 = tpu.vector_load %run_scoped3A[%get3A_92, %get3A_93] {strides = array<i32>} : memref<80x128xf32, #tpu.memory_space<vmem>>, vector<16xf32>,
          %get3A_95 = arith.index_cast %scan3A_63 : i32 to index
          %get3A_96 = arith.constant 32 : index
          %get3A_97 = tpu.vector_load %run_scoped3A_18[%get3A_95, %get3A_96] {strides = array<i32>} : memref<80x128xf32, #tpu.memory_space<vmem>>, vector<16xf32>,
          %add3A_98 = arith.addf %get3A_94, %get3A_97 : vector<16xf32>
          %mul3A_99 = vector.broadcast %squeeze3A : f32 to vector<16xf32>
          %mul3A_100 = arith.mulf %mul3A_99, %add3A_98 : vector<16xf32>
          %swap3A_101 = arith.index_cast %scan3A_63 : i32 to index
          %swap3A_102 = arith.constant 32 : index
          %swap3A_103 = tpu.vector_load %run_scoped3A_18[%swap3A_101, %swap3A_102] {strides = array<i32>} : memref<80x128xf32, #tpu.memory_space<vmem>>, vector<16xf32>,
          tpu.vector_store %run_scoped3A_18[%swap3A_101, %swap3A_102], %mul3A_100 {strides = array<i32>} : memref<80x128xf32, #tpu.memory_space<vmem>>, vector<16xf32>,
          %get3A_104 = arith.index_cast %scan3A_63 : i32 to index
          %get3A_105 = arith.constant 48 : index
          %get3A_106 = tpu.vector_load %run_scoped3A[%get3A_104, %get3A_105] {strides = array<i32>} : memref<80x128xf32, #tpu.memory_space<vmem>>, vector<16xf32>,
          %get3A_107 = arith.index_cast %scan3A_63 : i32 to index
          %get3A_108 = arith.constant 48 : index
          %get3A_109 = tpu.vector_load %run_scoped3A_18[%get3A_107, %get3A_108] {strides = array<i32>} : memref<80x128xf32, #tpu.memory_space<vmem>>, vector<16xf32>,
          %add3A_110 = arith.addf %get3A_106, %get3A_109 : vector<16xf32>
          %mul3A_111 = vector.broadcast %squeeze3A : f32 to vector<16xf32>
          %mul3A_112 = arith.mulf %mul3A_111, %add3A_110 : vector<16xf32>
          %swap3A_113 = arith.index_cast %scan3A_63 : i32 to index
          %swap3A_114 = arith.constant 48 : index
          %swap3A_115 = tpu.vector_load %run_scoped3A_18[%swap3A_113, %swap3A_114] {strides = array<i32>} : memref<80x128xf32, #tpu.memory_space<vmem>>, vector<16xf32>,
          tpu.vector_store %run_scoped3A_18[%swap3A_113, %swap3A_114], %mul3A_112 {strides = array<i32>} : memref<80x128xf32, #tpu.memory_space<vmem>>, vector<16xf32>,
          %get3A_116 = arith.index_cast %scan3A_63 : i32 to index
          %get3A_117 = arith.constant 64 : index
          %get3A_118 = tpu.vector_load %run_scoped3A[%get3A_116, %get3A_117] {strides = array<i32>} : memref<80x128xf32, #tpu.memory_space<vmem>>, vector<16xf32>,
          %get3A_119 = arith.index_cast %scan3A_63 : i32 to index
          %get3A_120 = arith.constant 64 : index
          %get3A_121 = tpu.vector_load %run_scoped3A_18[%get3A_119, %get3A_120] {strides = array<i32>} : memref<80x128xf32, #tpu.memory_space<vmem>>, vector<16xf32>,
          %add3A_122 = arith.addf %get3A_118, %get3A_121 : vector<16xf32>
          %mul3A_123 = vector.broadcast %squeeze3A : f32 to vector<16xf32>
          %mul3A_124 = arith.mulf %mul3A_123, %add3A_122 : vector<16xf32>
          %swap3A_125 = arith.index_cast %scan3A_63 : i32 to index
          %swap3A_126 = arith.constant 64 : index
          %swap3A_127 = tpu.vector_load %run_scoped3A_18[%swap3A_125, %swap3A_126] {strides = array<i32>} : memref<80x128xf32, #tpu.memory_space<vmem>>, vector<16xf32>,
          tpu.vector_store %run_scoped3A_18[%swap3A_125, %swap3A_126], %mul3A_124 {strides = array<i32>} : memref<80x128xf32, #tpu.memory_space<vmem>>, vector<16xf32>,
          %get3A_128 = arith.index_cast %scan3A_63 : i32 to index
          %get3A_129 = arith.constant 80 : index
          %get3A_130 = tpu.vector_load %run_scoped3A[%get3A_128, %get3A_129] {strides = array<i32>} : memref<80x128xf32, #tpu.memory_space<vmem>>, vector<16xf32>,
          %get3A_131 = arith.index_cast %scan3A_63 : i32 to index
          %get3A_132 = arith.constant 80 : index
          %get3A_133 = tpu.vector_load %run_scoped3A_18[%get3A_131, %get3A_132] {strides = array<i32>} : memref<80x128xf32, #tpu.memory_space<vmem>>, vector<16xf32>,
          %add3A_134 = arith.addf %get3A_130, %get3A_133 : vector<16xf32>
          %mul3A_135 = vector.broadcast %squeeze3A : f32 to vector<16xf32>
          %mul3A_136 = arith.mulf %mul3A_135, %add3A_134 : vector<16xf32>
          %swap3A_137 = arith.index_cast %scan3A_63 : i32 to index
          %swap3A_138 = arith.constant 80 : index
          %swap3A_139 = tpu.vector_load %run_scoped3A_18[%swap3A_137, %swap3A_138] {strides = array<i32>} : memref<80x128xf32, #tpu.memory_space<vmem>>, vector<16xf32>,
          tpu.vector_store %run_scoped3A_18[%swap3A_137, %swap3A_138], %mul3A_136 {strides = array<i32>} : memref<80x128xf32, #tpu.memory_space<vmem>>, vector<16xf32>,
          %get3A_140 = arith.index_cast %scan3A_63 : i32 to index
          %get3A_141 = arith.constant 96 : index
          %get3A_142 = tpu.vector_load %run_scoped3A[%get3A_140, %get3A_141] {strides = array<i32>} : memref<80x128xf32, #tpu.memory_space<vmem>>, vector<16xf32>,
          %get3A_143 = arith.index_cast %scan3A_63 : i32 to index
          %get3A_144 = arith.constant 96 : index
          %get3A_145 = tpu.vector_load %run_scoped3A_18[%get3A_143, %get3A_144] {strides = array<i32>} : memref<80x128xf32, #tpu.memory_space<vmem>>, vector<16xf32>,
          %add3A_146 = arith.addf %get3A_142, %get3A_145 : vector<16xf32>
          %mul3A_147 = vector.broadcast %squeeze3A : f32 to vector<16xf32>
          %mul3A_148 = arith.mulf %mul3A_147, %add3A_146 : vector<16xf32>
          %swap3A_149 = arith.index_cast %scan3A_63 : i32 to index
          %swap3A_150 = arith.constant 96 : index
          %swap3A_151 = tpu.vector_load %run_scoped3A_18[%swap3A_149, %swap3A_150] {strides = array<i32>} : memref<80x128xf32, #tpu.memory_space<vmem>>, vector<16xf32>,
          tpu.vector_store %run_scoped3A_18[%swap3A_149, %swap3A_150], %mul3A_148 {strides = array<i32>} : memref<80x128xf32, #tpu.memory_space<vmem>>, vector<16xf32>,
          %get3A_152 = arith.index_cast %scan3A_63 : i32 to index
          %get3A_153 = arith.constant 112 : index
          %get3A_154 = tpu.vector_load %run_scoped3A[%get3A_152, %get3A_153] {strides = array<i32>} : memref<80x128xf32, #tpu.memory_space<vmem>>, vector<16xf32>,
          %get3A_155 = arith.index_cast %scan3A_63 : i32 to index
          %get3A_156 = arith.constant 112 : index
          %get3A_157 = tpu.vector_load %run_scoped3A_18[%get3A_155, %get3A_156] {strides = array<i32>} : memref<80x128xf32, #tpu.memory_space<vmem>>, vector<16xf32>,
          %add3A_158 = arith.addf %get3A_154, %get3A_157 : vector<16xf32>
          %mul3A_159 = vector.broadcast %squeeze3A : f32 to vector<16xf32>
          %mul3A_160 = arith.mulf %mul3A_159, %add3A_158 : vector<16xf32>
          %swap3A_161 = arith.index_cast %scan3A_63 : i32 to index
          %swap3A_162 = arith.constant 112 : index
          %swap3A_163 = tpu.vector_load %run_scoped3A_18[%swap3A_161, %swap3A_162] {strides = array<i32>} : memref<80x128xf32, #tpu.memory_space<vmem>>, vector<16xf32>,
          tpu.vector_store %run_scoped3A_18[%swap3A_161, %swap3A_162], %mul3A_160 {strides = array<i32>} : memref<80x128xf32, #tpu.memory_space<vmem>>, vector<16xf32>,
          %scan3A_164 = arith.constant 0 : i32
          scf.yield %scan3A_164 : i32
        }
        %scan3A_61 = arith.constant 80 : i32
        "tpu.region"() ({
          %run_scoped3A_63 = tpu.sem_alloc : memref<!tpu.dma_semaphore, #tpu.memory_space<semaphore_mem>>
          %dma_start3A = arith.constant 0 : i32
          %dma_start3A_64 = arith.constant 0 : i32
          %dma_start3A_65 = tpu.memref_slice %arg22[%dma_start3A, %dma_start3A_64] : memref<10240x128xf32, #tpu.memory_space<vmem_shared>> -> memref<10240x128xf32, #tpu.memory_space<vmem_shared>>
          tpu.enqueue_indirect_dma source(%run_scoped3A_18 : memref<80x128xf32, #tpu.memory_space<vmem>>) target(%dma_start3A_65 : memref<10240x128xf32, #tpu.memory_space<vmem_shared>>) offsets(%arg16 : memref<80xi32, #tpu.memory_space<vmem>>) semaphore(%run_scoped3A_63 : memref<!tpu.dma_semaphore, #tpu.memory_space<semaphore_mem>>) {add = true}
          %dma_wait3A = arith.constant 0 : i32
          %dma_wait3A_66 = arith.constant 0 : i32
          %dma_wait3A_67 = tpu.memref_slice %arg22[%dma_wait3A, %dma_wait3A_66] : memref<10240x128xf32, #tpu.memory_space<vmem_shared>> -> memref<10240x128xf32, #tpu.memory_space<vmem_shared>>
          tpu.wait_indirect_dma semaphore(%run_scoped3A_63 : memref<!tpu.dma_semaphore, #tpu.memory_space<semaphore_mem>>) src(%run_scoped3A_18 : memref<80x128xf32, #tpu.memory_space<vmem>>) dst(%dma_wait3A_67 : memref<10240x128xf32, #tpu.memory_space<vmem_shared>>)
          tpu.yield
        }) : () -> ()
        %scan3A_62 = arith.constant 0 : i32
        scf.yield %scan3A_62 : i32
      }
      %scan3A_42 = arith.constant 125 : i32
      %barrier3A_43 = arith.constant 0 : index
      tpu.barrier barrier_id(%barrier3A_43)
      %mul3A_44 = arith.constant 640 : i32
      %mul3A_45 = arith.muli %arg1, %mul3A_44 : i32
      %mul3A_46 = arith.constant 640 : i32
      %mul3A_47 = arith.muli %arg1, %mul3A_46 : i32
      "tpu.region"() ({
        %run_scoped3A_48 = tpu.sem_alloc : memref<!tpu.dma_semaphore, #tpu.memory_space<semaphore_mem>>
        %dma_start3A = arith.constant 0 : i32
        %dma_start3A_49 = tpu.memref_slice %arg9[%arg0, %mul3A_47, %dma_start3A] : memref<2x10240x128xf32, #tpu.memory_space<hbm>> -> memref<1x640x128xf32, #tpu.memory_space<hbm>>
        %dma_start3A_50 = tpu.memref_squeeze %dma_start3A_49 : memref<1x640x128xf32, #tpu.memory_space<hbm>> -> memref<640x128xf32, #tpu.memory_space<hbm>>
        %dma_start3A_51 = arith.constant 0 : i32
        %dma_start3A_52 = tpu.memref_slice %arg22[%mul3A_45, %dma_start3A_51] : memref<10240x128xf32, #tpu.memory_space<vmem_shared>> -> memref<640x128xf32, #tpu.memory_space<vmem_shared>>
        tpu.enqueue_dma source(%dma_start3A_52 : memref<640x128xf32, #tpu.memory_space<vmem_shared>>) target(%dma_start3A_50 : memref<640x128xf32, #tpu.memory_space<hbm>>) target_semaphore(%run_scoped3A_48 : memref<!tpu.dma_semaphore, #tpu.memory_space<semaphore_mem>>)
        %dma_wait3A = arith.constant 0 : i32
        %dma_wait3A_53 = tpu.memref_slice %arg9[%arg0, %mul3A_47, %dma_wait3A] : memref<2x10240x128xf32, #tpu.memory_space<hbm>> -> memref<1x640x128xf32, #tpu.memory_space<hbm>>
        %dma_wait3A_54 = tpu.memref_squeeze %dma_wait3A_53 : memref<1x640x128xf32, #tpu.memory_space<hbm>> -> memref<640x128xf32, #tpu.memory_space<hbm>>
        %dma_wait3A_55 = arith.constant 0 : i32
        %dma_wait3A_56 = tpu.memref_slice %arg22[%mul3A_45, %dma_wait3A_55] : memref<10240x128xf32, #tpu.memory_space<vmem_shared>> -> memref<640x128xf32, #tpu.memory_space<vmem_shared>>
        tpu.wait_dma2 semaphore(%run_scoped3A_48 : memref<!tpu.dma_semaphore, #tpu.memory_space<semaphore_mem>>) src(%dma_wait3A_56 : memref<640x128xf32, #tpu.memory_space<vmem_shared>>) dst(%dma_wait3A_54 : memref<640x128xf32, #tpu.memory_space<hbm>>)
        tpu.yield
      }) : () -> ()
      tpu.yield
    }) : () -> ()
    return
  }
}

module attributes {stable_mosaic.version = 14 : i64} {
  func.func @_rh_body(%arg0: i32, %arg1: memref<4000x128xf32, #tpu.memory_space<vmem>>, %arg2: memref<128x128xf32, #tpu.memory_space<vmem>>, %arg3: memref<1x384xf32, #tpu.memory_space<vmem>>, %arg4: memref<4000x128xf32, #tpu.memory_space<vmem>>, %arg5: memref<4000x1xf32, #tpu.memory_space<vmem>>) attributes {dimension_semantics = [#tpu.dimension_semantics<arbitrary>], iteration_bounds = array<i64: 80>, scalar_prefetch = 0 : i64, scratch_operands = 0 : i64, tpu.core_type = #tpu.core_type<tc>, window_params = [{transform_indices = @transform_0, window_bounds = array<i64: 4000, 128>}, {pipeline_mode = #tpu.pipeline_mode<synchronous>, transform_indices = @transform_1, window_bounds = array<i64: 128, 128>}, {pipeline_mode = #tpu.pipeline_mode<synchronous>, transform_indices = @transform_2, window_bounds = array<i64: 1, 384>}, {transform_indices = @transform_3, window_bounds = array<i64: 4000, 128>}, {transform_indices = @transform_4, window_bounds = array<i64: 4000, 1>}]} {
    %get3A = arith.constant 0 : index
    %get3A_0 = arith.constant 0 : index
    %get3A_1 = vector.load %arg1[%get3A, %get3A_0] : memref<4000x128xf32, #tpu.memory_space<vmem>>, vector<4000x128xf32>
    %get3A_2 = arith.constant 0 : index
    %get3A_3 = arith.constant 0 : index
    %get3A_4 = vector.load %arg2[%get3A_2, %get3A_3] : memref<128x128xf32, #tpu.memory_space<vmem>>, vector<128x128xf32>
    %dot_general3A = arith.constant dense<0.000000e+00> : vector<4000x128xf32>
    %dot_general3A_5 = tpu.matmul %get3A_1, %get3A_4, %dot_general3A {dimension_numbers = #tpu.dot_dimension_numbers<[1], [1], [0], [0], [0, 0, 1, 0], [], []>, transpose_lhs_hint = false} : vector<4000x128xf32>, vector<128x128xf32>, vector<4000x128xf32> -> vector<4000x128xf32>
    %swap3A = arith.constant 0 : index
    %swap3A_6 = arith.constant 0 : index
    %swap3A_7 = vector.load %arg4[%swap3A, %swap3A_6] : memref<4000x128xf32, #tpu.memory_space<vmem>>, vector<4000x128xf32>
    tpu.vector_store %arg4[%swap3A, %swap3A_6], %dot_general3A_5 {strides = array<i32>} : memref<4000x128xf32, #tpu.memory_space<vmem>>, vector<4000x128xf32>,
    %get3A_8 = arith.constant 0 : index
    %get3A_9 = arith.constant 256 : index
    %get3A_10 = vector.load %arg3[%get3A_8, %get3A_9] : memref<1x384xf32, #tpu.memory_space<vmem>>, vector<1x128xf32>
    %dot_general3A_11 = arith.constant dense<0.000000e+00> : vector<4000x1xf32>
    %dot_general3A_12 = tpu.matmul %dot_general3A_5, %get3A_10, %dot_general3A_11 {dimension_numbers = #tpu.dot_dimension_numbers<[1], [1], [0], [0], [0, 0, 1, 0], [], []>, transpose_lhs_hint = false} : vector<4000x128xf32>, vector<1x128xf32>, vector<4000x1xf32> -> vector<4000x1xf32>
    %swap3A_13 = arith.constant 0 : index
    %swap3A_14 = arith.constant 0 : index
    %swap3A_15 = vector.load %arg5[%swap3A_13, %swap3A_14] : memref<4000x1xf32, #tpu.memory_space<vmem>>, vector<4000x1xf32>
    tpu.vector_store %arg5[%swap3A_13, %swap3A_14], %dot_general3A_12 {strides = array<i32>} : memref<4000x1xf32, #tpu.memory_space<vmem>>, vector<4000x1xf32>,
    return
  }
  func.func @transform_0(%arg0: i32) -> (i32, i32) {
    %c0_i32 = arith.constant 0 : i32
    %c0_i32_0 = arith.constant 0 : i32
    return %arg0, %c0_i32 : i32, i32
  }
  func.func @transform_1(%arg0: i32) -> (i32, i32) {
    %c0_i32 = arith.constant 0 : i32
    %c0_i32_0 = arith.constant 0 : i32
    %c0_i32_1 = arith.constant 0 : i32
    return %c0_i32, %c0_i32_0 : i32, i32
  }
  func.func @transform_2(%arg0: i32) -> (i32, i32) {
    %c0_i32 = arith.constant 0 : i32
    %c0_i32_0 = arith.constant 0 : i32
    %c0_i32_1 = arith.constant 0 : i32
    return %c0_i32, %c0_i32_0 : i32, i32
  }
  func.func @transform_3(%arg0: i32) -> (i32, i32) {
    %c0_i32 = arith.constant 0 : i32
    %c0_i32_0 = arith.constant 0 : i32
    return %arg0, %c0_i32 : i32, i32
  }
  func.func @transform_4(%arg0: i32) -> (i32, i32) {
    %c0_i32 = arith.constant 0 : i32
    %c0_i32_0 = arith.constant 0 : i32
    return %arg0, %c0_i32 : i32, i32
  }
}

module attributes {stable_mosaic.version = 14 : i64} {
  func.func @_prep_body(%arg0: memref<10000x128xf32, #tpu.memory_space<vmem>>, %arg1: memref<128x128xf32, #tpu.memory_space<vmem>>, %arg2: memref<1x384xf32, #tpu.memory_space<vmem>>, %arg3: memref<128x128xf32, #tpu.memory_space<vmem>>, %arg4: memref<10000x128xf32, #tpu.memory_space<vmem>>, %arg5: memref<10000x128xf32, #tpu.memory_space<vmem>>, %arg6: memref<10000x1xf32, #tpu.memory_space<vmem>>, %arg7: memref<10000x1xf32, #tpu.memory_space<vmem>>) attributes {dimension_semantics = [], scalar_prefetch = 0 : i64, scratch_operands = 0 : i64, tpu.core_type = #tpu.core_type<tc>} {
    %get3A = arith.constant 0 : index
    %get3A_0 = arith.constant 0 : index
    %get3A_1 = vector.load %arg0[%get3A, %get3A_0] : memref<10000x128xf32, #tpu.memory_space<vmem>>, vector<10000x128xf32>
    %get3A_2 = arith.constant 0 : index
    %get3A_3 = arith.constant 0 : index
    %get3A_4 = vector.load %arg1[%get3A_2, %get3A_3] : memref<128x128xf32, #tpu.memory_space<vmem>>, vector<128x128xf32>
    %dot_general3A = arith.constant dense<0.000000e+00> : vector<10000x128xf32>
    %dot_general3A_5 = tpu.matmul %get3A_1, %get3A_4, %dot_general3A {dimension_numbers = #tpu.dot_dimension_numbers<[1], [1], [0], [0], [0, 0, 1, 0], [], []>, transpose_lhs_hint = false} : vector<10000x128xf32>, vector<128x128xf32>, vector<10000x128xf32> -> vector<10000x128xf32>
    %swap3A = arith.constant 0 : index
    %swap3A_6 = arith.constant 0 : index
    %swap3A_7 = vector.load %arg4[%swap3A, %swap3A_6] : memref<10000x128xf32, #tpu.memory_space<vmem>>, vector<10000x128xf32>
    tpu.vector_store %arg4[%swap3A, %swap3A_6], %dot_general3A_5 {strides = array<i32>} : memref<10000x128xf32, #tpu.memory_space<vmem>>, vector<10000x128xf32>,
    %get3A_8 = arith.constant 0 : index
    %get3A_9 = arith.constant 0 : index
    %get3A_10 = vector.load %arg3[%get3A_8, %get3A_9] : memref<128x128xf32, #tpu.memory_space<vmem>>, vector<128x128xf32>
    %dot_general3A_11 = arith.constant dense<0.000000e+00> : vector<10000x128xf32>
    %dot_general3A_12 = tpu.matmul %dot_general3A_5, %get3A_10, %dot_general3A_11 {dimension_numbers = #tpu.dot_dimension_numbers<[1], [0], [0], [1], [0, 0, 1, 1], [], []>, transpose_lhs_hint = false} : vector<10000x128xf32>, vector<128x128xf32>, vector<10000x128xf32> -> vector<10000x128xf32>
    %swap3A_13 = arith.constant 0 : index
    %swap3A_14 = arith.constant 0 : index
    %swap3A_15 = vector.load %arg5[%swap3A_13, %swap3A_14] : memref<10000x128xf32, #tpu.memory_space<vmem>>, vector<10000x128xf32>
    tpu.vector_store %arg5[%swap3A_13, %swap3A_14], %dot_general3A_12 {strides = array<i32>} : memref<10000x128xf32, #tpu.memory_space<vmem>>, vector<10000x128xf32>,
    %get3A_16 = arith.constant 0 : index
    %get3A_17 = arith.constant 0 : index
    %get3A_18 = vector.load %arg2[%get3A_16, %get3A_17] : memref<1x384xf32, #tpu.memory_space<vmem>>, vector<1x128xf32>
    %dot_general3A_19 = arith.constant dense<0.000000e+00> : vector<10000x1xf32>
    %dot_general3A_20 = tpu.matmul %dot_general3A_5, %get3A_18, %dot_general3A_19 {dimension_numbers = #tpu.dot_dimension_numbers<[1], [1], [0], [0], [0, 0, 1, 0], [], []>, transpose_lhs_hint = false} : vector<10000x128xf32>, vector<1x128xf32>, vector<10000x1xf32> -> vector<10000x1xf32>
    %swap3A_21 = arith.constant 0 : index
    %swap3A_22 = arith.constant 0 : index
    %swap3A_23 = vector.load %arg6[%swap3A_21, %swap3A_22] : memref<10000x1xf32, #tpu.memory_space<vmem>>, vector<10000x1xf32>
    tpu.vector_store %arg6[%swap3A_21, %swap3A_22], %dot_general3A_20 {strides = array<i32>} : memref<10000x1xf32, #tpu.memory_space<vmem>>, vector<10000x1xf32>,
    %get3A_24 = arith.constant 0 : index
    %get3A_25 = arith.constant 128 : index
    %get3A_26 = vector.load %arg2[%get3A_24, %get3A_25] : memref<1x384xf32, #tpu.memory_space<vmem>>, vector<1x128xf32>
    %dot_general3A_27 = arith.constant dense<0.000000e+00> : vector<10000x1xf32>
    %dot_general3A_28 = tpu.matmul %dot_general3A_5, %get3A_26, %dot_general3A_27 {dimension_numbers = #tpu.dot_dimension_numbers<[1], [1], [0], [0], [0, 0, 1, 0], [], []>, transpose_lhs_hint = false} : vector<10000x128xf32>, vector<1x128xf32>, vector<10000x1xf32> -> vector<10000x1xf32>
    %swap3A_29 = arith.constant 0 : index
    %swap3A_30 = arith.constant 0 : index
    %swap3A_31 = vector.load %arg7[%swap3A_29, %swap3A_30] : memref<10000x1xf32, #tpu.memory_space<vmem>>, vector<10000x1xf32>
    tpu.vector_store %arg7[%swap3A_29, %swap3A_30], %dot_general3A_28 {strides = array<i32>} : memref<10000x1xf32, #tpu.memory_space<vmem>>, vector<10000x1xf32>,
    return
  }
}

module attributes {stable_mosaic.version = 14 : i64} {
  func.func @_epi_body(%arg0: i32, %arg1: memref<2x2000x128xf32, #tpu.memory_space<vmem>>, %arg2: memref<2000x128xf32, #tpu.memory_space<vmem>>, %arg3: memref<2000x128xf32, #tpu.memory_space<vmem>>, %arg4: memref<2000x1xf32, #tpu.memory_space<vmem>>, %arg5: memref<2000x128xf32, #tpu.memory_space<vmem>>) attributes {dimension_semantics = [#tpu.dimension_semantics<arbitrary>], iteration_bounds = array<i64: 5>, scalar_prefetch = 0 : i64, scratch_operands = 0 : i64, tpu.core_type = #tpu.core_type<tc>, window_params = [{transform_indices = @transform_0, window_bounds = array<i64: 2, 2000, 128>}, {transform_indices = @transform_1, window_bounds = array<i64: 2000, 128>}, {transform_indices = @transform_2, window_bounds = array<i64: 2000, 128>}, {transform_indices = @transform_3, window_bounds = array<i64: 2000, 1>}, {transform_indices = @transform_4, window_bounds = array<i64: 2000, 128>}]} {
    %get3A = arith.constant 0 : index
    %get3A_0 = arith.constant 0 : index
    %get3A_1 = arith.constant 0 : index
    %get3A_2 = vector.load %arg1[%get3A, %get3A_0, %get3A_1] : memref<2x2000x128xf32, #tpu.memory_space<vmem>>, vector<1x2000x128xf32>
    %get3A_3 = vector.shape_cast %get3A_2 : vector<1x2000x128xf32> to vector<2000x128xf32>
    %get3A_4 = arith.constant 1 : index
    %get3A_5 = arith.constant 0 : index
    %get3A_6 = arith.constant 0 : index
    %get3A_7 = vector.load %arg1[%get3A_4, %get3A_5, %get3A_6] : memref<2x2000x128xf32, #tpu.memory_space<vmem>>, vector<1x2000x128xf32>
    %get3A_8 = vector.shape_cast %get3A_7 : vector<1x2000x128xf32> to vector<2000x128xf32>
    %add3A = arith.addf %get3A_3, %get3A_8 : vector<2000x128xf32>
    %get3A_9 = arith.constant 0 : index
    %get3A_10 = arith.constant 0 : index
    %get3A_11 = vector.load %arg2[%get3A_9, %get3A_10] : memref<2000x128xf32, #tpu.memory_space<vmem>>, vector<2000x128xf32>
    %add3A_12 = arith.addf %add3A, %get3A_11 : vector<2000x128xf32>
    %get3A_13 = arith.constant 0 : index
    %get3A_14 = arith.constant 0 : index
    %get3A_15 = vector.load %arg4[%get3A_13, %get3A_14] : memref<2000x1xf32, #tpu.memory_space<vmem>>, vector<2000x1xf32>
    %gt3A = arith.constant 0.000000e+00 : f32
    %gt3A_16 = vector.broadcast %gt3A : f32 to vector<2000x1xf32>
    %gt3A_17 = arith.cmpf ogt, %get3A_15, %gt3A_16 : vector<2000x1xf32>
    %get3A_18 = arith.constant 0 : index
    %get3A_19 = arith.constant 0 : index
    %get3A_20 = vector.load %arg3[%get3A_18, %get3A_19] : memref<2000x128xf32, #tpu.memory_space<vmem>>, vector<2000x128xf32>
    %broadcast_in_dim3A = vector.shape_cast %gt3A_17 : vector<2000x1xi1> to vector<2000x1xi1>
    %broadcast_in_dim3A_21 = vector.broadcast %broadcast_in_dim3A : vector<2000x1xi1> to vector<2000x128xi1>
    %select_n3A = arith.select %broadcast_in_dim3A_21, %add3A_12, %get3A_20 : vector<2000x128xi1>, vector<2000x128xf32>
    %max3A = arith.constant 0.000000e+00 : f32
    %max3A_22 = vector.broadcast %max3A : f32 to vector<2000x128xf32>
    %max3A_23 = arith.maximumf %select_n3A, %max3A_22 : vector<2000x128xf32>
    %swap3A = arith.constant 0 : index
    %swap3A_24 = arith.constant 0 : index
    %swap3A_25 = vector.load %arg5[%swap3A, %swap3A_24] : memref<2000x128xf32, #tpu.memory_space<vmem>>, vector<2000x128xf32>
    tpu.vector_store %arg5[%swap3A, %swap3A_24], %max3A_23 {strides = array<i32>} : memref<2000x128xf32, #tpu.memory_space<vmem>>, vector<2000x128xf32>,
    return
  }
  func.func @transform_0(%arg0: i32) -> (i32, i32, i32) {
    %c0_i32 = arith.constant 0 : i32
    %c0_i32_0 = arith.constant 0 : i32
    %c0_i32_1 = arith.constant 0 : i32
    return %c0_i32, %arg0, %c0_i32_0 : i32, i32, i32
  }
  func.func @transform_1(%arg0: i32) -> (i32, i32) {
    %c0_i32 = arith.constant 0 : i32
    %c0_i32_0 = arith.constant 0 : i32
    return %arg0, %c0_i32 : i32, i32
  }
  func.func @transform_2(%arg0: i32) -> (i32, i32) {
    %c0_i32 = arith.constant 0 : i32
    %c0_i32_0 = arith.constant 0 : i32
    return %arg0, %c0_i32 : i32, i32
  }
  func.func @transform_3(%arg0: i32) -> (i32, i32) {
    %c0_i32 = arith.constant 0 : i32
    %c0_i32_0 = arith.constant 0 : i32
    return %arg0, %c0_i32 : i32, i32
  }
  func.func @transform_4(%arg0: i32) -> (i32, i32) {
    %c0_i32 = arith.constant 0 : i32
    %c0_i32_0 = arith.constant 0 : i32
    return %arg0, %c0_i32 : i32, i32
  }
}

</mosaic_0001>

<sc_bundles>
// kernel: kernel.6.cloned.1.call-start
scs
__scs_entry_jumppad:
0x0: {  	(pc) =	sbr.rel $0x88, $3  }
0x1: {  	(tag) =	ssettag $0x0;
	lr =	simm.s32 $0x1  }
0x2: {  	[smem:$0x3F9A] =	sst lr;
	_ =	strace $0xD0000000  }
0x3: {  	_ = 	snop  }
0x4: {  	_ = 	snop  }
0x5: {  	_ = 	snop  }
0x6: {  	_ = 	snop  }
0x7: {  	_ = 	snop  }
__scs_overlays_trampoline_lowered:
0x8: {  	[smem:$0x3FA9] =	sst s0  }
0x9: {  	[smem:$0x3FAA] =	sst s1  }
0xa: {  	[smem:$0x3FAB] =	sst s2  }
0xb: {  	[smem:$0x3FAC] =	sst s3  }
0xc: {  	[smem:$0x3FAD] =	sst s4  }
0xd: {  	[smem:$0x3FAE] =	sst s5  }
0xe: {  	[smem:$0x3FAF] =	sst s6  }
0xf: {  	[smem:$0x3FB0] =	sst s7  }
0x10: {  	[smem:$0x3FB1] =	sst s8  }
0x11: {  	[smem:$0x3FB2] =	sst s9;
	s0 =	simm.s32 @!p0 $0x0  }
0x12: {  	s1 =	sld [smem:$0x3F98];
	s0 =	simm.s32 @p0 $0x1  }
0x13: {  	[smem:$0x3FB3] =	sst s0;
	s0 =	simm.s32 @!p1 $0x0  }
0x14: {  	s2 =	sld [smem:$0x3F97];
	s0 =	simm.s32 @p1 $0x1  }
0x15: {  	[smem:$0x3FB4] =	sst s0;
	s0 =	simm.s32 @!p2 $0x0  }
0x16: {  	s3 =	sld [smem:$0x3FDB];
	s0 =	simm.s32 @p2 $0x1  }
0x17: {  	s4 =	simm.s32 $0x1BF5;
	[smem:$0x3FB6] =	sst s0  }
0x18: {  	s0 =	sld [smem:$0x3F99];
	_ =	swait.ge [sflag:s4], $0x0  }
0x19: {  	s7 =	sld [smem:$0x3F9A]  }
0x1a: {  	s8 =	sadd.s32 $0xFFFFE003, lr  }
0x1b: {  	s9 =	sadd.s32 $0xFFFFFEF7, lr;
	s5 =	simm.s32 $0xFFFFFFFF;
	p2 =	slt.u32 s8, $0xFFFFF086  }
0x1c: {  	p1 =	slt.u32 s9, $0xF7A;
	s5 =	simm.s32 @!p2 $0x0  }
0x1d: {  	s5 =	simm.s32 @p1 $0x1;
	p0 =	seq.s32 s7, s2  }
0x1e: {  	s7 =	smul.u32 @!p0 $0xF7A, s2;
	p2 =	seq.s32 @!p0 s5, $0x0  }
0x1f: {  	s9 =	smul.u32 $0xF7A, s1;
	s8 =	simm.s32 @!p0 $0x1BF5;
	p2 =	por !p2, p0  }
0x20: {  	[sflag:s8] =	ssyncset.s32 @!p0 $0xFFFFF086;
	s6 =	sadd.s32 @!p0 s3, s7;
	s7 =	simm.s32 @!p0 $0x108  }
0x21: {  	s3 =	sadd.s32 s3, s9;
	s6 =	sadd.s32 @!p0 $0x88, s6;
	s7 =	simm.s32 @p2 $0x1082  }
0x22: {  	[simem:s7], [sflag:s8] =	dma.local @!p0 [hbm:s6], $0xF7A  }
0x23: {  	s9 =	sor.u32 $0xD0000000, s2;
	s6 =	simm.s32 $0x108;
	_ =	swait.ge @!p0 [sflag:s8], $0x0  }
0x24: {  	s3 =	sadd.s32 $0x88, s3;
	s6 =	simm.s32 @!p1 $0x1082;
	[sflag:s4] =	ssyncset.s32 $0xFFFFF086  }
0x25: {  	[simem:s6], [sflag:s4] =	dma.local [hbm:s3], $0xF7A  }
0x26: {  	[smem:$0x3F9A] =	sst s1;
	(tag) =	ssettag s2;
	_ =	strace s9  }
0x27: {  	s1 =	sld [smem:$0x3FAA]  }
0x28: {  	s2 =	sld [smem:$0x3FAB]  }
0x29: {  	s4 =	sld [smem:$0x3FAD]  }
0x2a: {  	p0 =	seq.s32 s5, $0x0;
	s5 =	sld [smem:$0x3FAE]  }
0x2b: {  	s6 =	sld [smem:$0x3FAF]  }
0x2c: {  	s7 =	sld [smem:$0x3FB0]  }
0x2d: {  	s3 =	simm.s32 $0x108;
	s8 =	sld [smem:$0x3FB1]  }
0x2e: {  	s3 =	simm.s32 @!p0 $0x1082;
	s9 =	sld [smem:$0x3FB2]  }
0x2f: {  	lr =	sadd.s32 s0, s3;
	s0 =	sld [smem:$0x3FA9]  }
0x30: {  	s3 =	sld [smem:$0x3FAC]  }
0x31: {  	[smem:$0x3FB5] =	sst s10  }
0x32: {  	s10 =	sld [smem:$0x3FB3];
	_ =	sdelay $0x3  }
0x33: {  	p0 =	seq.s32 s10, $0x1;
	s10 =	sld [smem:$0x3FB5];
	_ =	sdelay $0x3  }
0x34: {  	[smem:$0x3FB5] =	sst s10  }
0x35: {  	s10 =	sld [smem:$0x3FB4];
	_ =	sdelay $0x3  }
0x36: {  	p1 =	seq.s32 s10, $0x1;
	s10 =	sld [smem:$0x3FB5];
	_ =	sdelay $0x3  }
0x37: {  	[smem:$0x3FB5] =	sst s10  }
0x38: {  	s10 =	sld [smem:$0x3FB6]  }
0x39: {  	_ = 	snop;
	(pc) =	sbr.ind lr, $3  }
0x3a: {  	_ = 	snop  }
0x3b: {  	_ = 	snop  }
0x3c: {  	p2 =	seq.s32 s10, $0x1;
	s10 =	sld [smem:$0x3FB5]  }
0x3d: {  	_ =	shalt  }
0x3e: {  	_ =	shalt  }
0x3f: {  	_ =	shalt  }
0x40: {  	_ =	shalt  }
0x41: {  	_ =	shalt  }
0x42: {  	_ =	shalt  }
0x43: {  	_ =	shalt  }
0x44: {  	_ =	shalt  }
0x45: {  	_ =	shalt  }
0x46: {  	_ =	shalt  }
0x47: {  	_ =	shalt  }
0x48: {  	_ =	shalt  }
0x49: {  	_ =	shalt  }
0x4a: {  	_ =	shalt  }
0x4b: {  	_ =	shalt  }
0x4c: {  	_ =	shalt  }
0x4d: {  	_ =	shalt  }
0x4e: {  	_ =	shalt  }
0x4f: {  	_ =	shalt  }
0x50: {  	_ =	shalt  }
0x51: {  	_ =	shalt  }
0x52: {  	_ =	shalt  }
0x53: {  	_ =	shalt  }
0x54: {  	_ =	shalt  }
0x55: {  	_ =	shalt  }
0x56: {  	_ =	shalt  }
0x57: {  	_ =	shalt  }
0x58: {  	_ =	shalt  }
0x59: {  	_ =	shalt  }
0x5a: {  	_ =	shalt  }
0x5b: {  	_ =	shalt  }
0x5c: {  	_ =	shalt  }
0x5d: {  	_ =	shalt  }
0x5e: {  	_ =	shalt  }
0x5f: {  	_ =	shalt  }
0x60: {  	_ =	shalt  }
0x61: {  	_ =	shalt  }
0x62: {  	_ =	shalt  }
0x63: {  	_ =	shalt  }
0x64: {  	_ =	shalt  }
0x65: {  	_ =	shalt  }
0x66: {  	_ =	shalt  }
0x67: {  	_ =	shalt  }
0x68: {  	_ =	shalt  }
0x69: {  	_ =	shalt  }
0x6a: {  	_ =	shalt  }
0x6b: {  	_ =	shalt  }
0x6c: {  	_ =	shalt  }
0x6d: {  	_ =	shalt  }
0x6e: {  	_ =	shalt  }
0x6f: {  	_ =	shalt  }
0x70: {  	_ =	shalt  }
0x71: {  	_ =	shalt  }
0x72: {  	_ =	shalt  }
0x73: {  	_ =	shalt  }
0x74: {  	_ =	shalt  }
0x75: {  	_ =	shalt  }
0x76: {  	_ =	shalt  }
0x77: {  	_ =	shalt  }
0x78: {  	_ =	shalt  }
0x79: {  	_ =	shalt  }
0x7a: {  	_ =	shalt  }
0x7b: {  	_ =	shalt  }
0x7c: {  	_ =	shalt  }
0x7d: {  	_ =	shalt  }
0x7e: {  	_ =	shalt  }
0x7f: {  	_ =	shalt  }
0x80: {  	_ =	shalt  }
0x81: {  	_ =	shalt  }
0x82: {  	_ =	shalt  }
0x83: {  	_ =	shalt  }
0x84: {  	_ =	shalt  }
0x85: {  	_ =	shalt  }
0x86: {  	_ =	shalt  }
0x87: {  	_ =	shalt  }
.Lfunc_end0:
.L_simem_size_0:
called_computation_lowered:
.L_overlay_start_0:
0x88: {  	s2 =	sld [smem:$0x3FD9]  }
0x89: {  	s3 =	sld [smem:$0x3FFE];
	_ =	sdelay $0x1  }
0x8a: {  	s1 =	srdreg.scid  }
0x8b: {  	s0 =	sand.u32 $0x1, s1  }
0x8c: {  	s17 =	sshll.u32 s0, $0xA;
	s2 =	sadd.s32 s3, s2  }
0x8d: {  	s2 =	sadd.s32 s2, s17  }
0x8e: {  	[smem:$0x3FC1] =	sst s2  }
0x8f: {  	_ = 	snop  }
0x90: {  	s2 =	sld [smem:$0x3FD0];
	(tm) =	ssettm $0x1  }
0x91: {  	s18 =	sld [smem:$0x3FFB];
	_ =	sdelay $0x3  }
0x92: {  	_ =	strace s18  }
0x93: {  	s3 =	sld [smem:$0x3FFC];
	_ =	sdelay $0x3  }
0x94: {  	_ =	strace s3  }
0x95: {  	s3 =	sld [smem:$0x3FFD];
	_ =	sdelay $0x3  }
0x96: {  	_ =	strace s3  }
0x97: {  	_ =	strace $0x8FFFFFFF  }
0x98: {  	s19 =	sld [smem:$0x3FDB];
	_ =	sdelay $0x1  }
0x99: {  	s4 =	simm.s32 $_scs_section_size  }
0x9a: {  	s5 =	simm.s32 $_size__tile_overlayer_lowered;
	s6 =	simm.s32 $_tile_overlayer_lowered  }
0x9b: {  	s22 =	simm.s32 $0x1BFF;
	s21 =	sshll.u32 s6, $0x1;
	s3 =	sadd.s32 s4, s19  }
0x9c: {  	s7 =	simm.s32 $0x0;
	s20 =	sshll.u32 s5, $0x1;
	s5 =	sadd.s32 s21, s3  }
0x9d: {  	[timem:s7], [sflag:s22] =	dma.local [hbm:s5], s20  }
0x9e: {  	_ =	swait.ge [sflag:s22], s20  }
0x9f: {  	s4 =	ssub.s32 $0x0, s20;
	[sflag:s22] =	ssyncset.done $0x0  }
0xa0: {  	[sflag:s22] =	ssyncadd.s32 s4;
	_ =	sdelay $0x1  }
0xa1: {  	s23 =	simm.s32 $0x1B8B  }
0xa2: {  	_ =	swait.ge [sflag:s23], $0x1  }
0xa3: {  	[sflag:s23] =	ssyncset.done $0x0  }
0xa4: {  	s25 =	simm.s32 $0x1B8E;
	s24 =	sld [smem:$0x3FFE];
	[sflag:s23] =	ssyncadd.s32 $0xFFFFFFFF  }
0xa5: {  	s26 =	simm.s32 $execute0_lowered;
	[smem:$0x3FD2] =	sst s25  }
0xa6: {  	s5 =	sshll.u32 s26, $0x1;
	_ =	strace $0x80000046;
	[dreg:$0x1] =	wrdreg $0xFFFFFFFF  }
0xa7: {  	s28 =	simm.s32 $_size_execute0_lowered;
	s3 =	sadd.s32 s3, s5;
	[dreg:$0x0] =	wrdreg $0x0  }
0xa8: {  	s5 =	sshll.u32 s28, $0x1;
	[dreg:$0x2] =	wrdreg s3  }
0xa9: {  	[dreg:$0x3] =	wrdreg s5  }
0xaa: {  	[dreg:$0x4] =	wrdreg $0xC0  }
0xab: {  	_ =	task [dreg:s7], $0x5FFFF  }
0xac: {  	[dreg:$0x1] =	wrdreg $0xFFFFFFFF  }
0xad: {  	[dreg:$0x0] =	wrdreg $0x60  }
0xae: {  	[dreg:$0x2] =	wrdreg s24  }
0xaf: {  	[dreg:$0x3] =	wrdreg s2  }
0xb0: {  	[dreg:$0x4] =	wrdreg $0x40500  }
0xb1: {  	[dreg:$0x5] =	wrdreg $0x40400  }
0xb2: {  	[dreg:$0x6] =	wrdreg $0x42D00  }
0xb3: {  	[dreg:$0x7] =	wrdreg $0x9  }
0xb4: {  	_ =	task.clear_ibuf [dreg:s7], $0x8FFFF;
	_ =	strace $0x90000046  }
0xb5: {  	s29 =	simm.s32 $0x9;
	_ =	strace $0x80000048  }
0xb6: {  	_ =	swait.ge [sflag:s29], $0x1  }
0xb7: {  	[sflag:s29] =	ssyncadd.s32 $0xFFFFFFFF  }
0xb8: {  	_ =	strace $0x90000048  }
0xb9: {  	_ =	sfence  }
0xba: {  	s30 =	sld [smem:$0x0];
	_ =	sdelay $0x2  }
0xbb: {  	s31 =	sshll.u32 s1, $0xD;
	s1 =	sshrl.u32 s1, $0x2  }
0xbc: {  	s3 =	sand.u32 $0x4000, s31;
	s1 =	sadd.s32 s1, s30  }
0xbd: {  	s0 =	sor.u32 s3, s0;
	s1 =	sshll.u32 s1, $0x11  }
0xbe: {  	s0 =	sor.u32 s1, s0  }
0xbf: {  	s0 =	sadd.s32 $0x8F2B, s0  }
0xc0: {  	[sflag:s0] =	ssyncadd.remote.s32 $0x1  }
0xc1: {  	_ =	sfence.sel $0xFFFF  }
0xc2: {  	[dreg:$0x0] =	wrdreg $0xFFFFFFFF;
	(pc) =	sbr.abs _section_cstart, $3  }
0xc3: {  	[dreg:$0x1] =	wrdreg $0xFFFFFFFF  }
0xc4: {  	_ =	task.clear_ibuf [dreg:s7], $0x2FFFF;
	_ =	strace $0x9FFFFFFF  }
0xc5: {  	(tm) =	ssettm $0x7FFFFFFF  }
tec
execute0_lowered:
.L_overlay_start_1:
0x0: {  	(tag) =	ssettag $0x1  }
0x1: {  	s0 =	rddreg [dreg:$0x0]  }
0x2: {  	s1 =	rddreg [dreg:$0x1]  }
0x3: {  	s2 =	rddreg [dreg:$0x2]  }
0x4: {  	s18 =	rddreg [dreg:$0x3]  }
0x5: {  	s4 =	rddreg [dreg:$0x4];
	s5 =	simm.s32 $0x0  }
0x6: {  	s3 =	srdreg.scid;
	s17 =	stileid.u32;
	s31 =	simm.s32 $0x36C0  }
0x7: {  	[smem:$0x7FF] =	sst s5;
	s3 =	sand.u32 $0x1, s3;
	s7 =	sadd.s32 $0xA200, s0  }
0x8: {  	s6 =	smul.u32 $0x14000, s17;
	s8 =	sadd.s32 $0x400, s0;
	s9 =	sadd.s32 $0x9D8000, s0  }
0x9: {  	s10 =	smul.u32 $0x280, s17;
	s11 =	sadd.s32 $0x14000, s0;
	s12 =	sadd.s32 $0x14600, s0  }
0xa: {  	s28 =	smul.u32 $0x140000, s3;
	_ =	strace $0x80000047;
	[dreg:$0x6] =	wrdreg s11  }
0xb: {  	s30 =	sshll.u32 s17, $0x4;
	s29 =	smul.u32 $0x2800, s3;
	[dreg:$0x7] =	wrdreg s12  }
0xc: {  	s12 =	sadd.s32 $0x4F6000, s0;
	s13 =	sshll.u32 s3, $0x4;
	s3 =	ssub.s32 $0x2, s3  }
0xd: {  	s19 =	sadd.s32 s30, s18;
	s14 =	ssub.s32 s17, s13;
	s15 =	sshrl.u32 s3, $0x1  }
0xe: {  	s16 =	sor.u32 s17, s13;
	s17 =	smul.u32 $0x50000, s17;
	[dreg:$0x8] =	wrdreg s19  }
0xf: {  	s22 =	sadd.s32 s6, s4;
	s19 =	simm.s32 $0x1AAD0;
	s5 =	sadd.s32 s6, s28  }
0x10: {  	s11 =	sadd.s32 s10, s29;
	s14 =	smul.u32 $0x2710, s14;
	s3 =	ssub.s32 s3, s15  }
0x11: {  	s13 =	smul.u32 $0x2710, s16;
	s15 =	sadd.s32 s10, s2;
	s26 =	sshrl.u32 s22, $0x3  }
0x12: {  	s5 =	sshrl.u32 s5, $0x3;
	s11 =	sshrl.u32 s11, $0x3;
	s3 =	smax.u32 s3, $0x1  }
0x13: {  	[dreg:$0x10] =	wrdreg s26;
	s5 =	sadd.s32 s5, s0;
	s0 =	sadd.s32 s11, s0  }
0x14: {  	s18 =	smul.u32 $0x7D, s16;
	[dreg:$0xb] =	wrdreg s3;
	s0 =	sadd.s32 $0x14C00, s0  }
0x15: {  	s21 =	sshrl.u32 s17, $0x2;
	s20 =	sadd.s32 $0x15600, s5;
	[dreg:$0x9] =	wrdreg s0  }
0x16: {  	s6 =	simm.s32 $0x2720;
	[dreg:$0xa] =	wrdreg s20;
	s0 =	sadd.s32 s21, s4  }
0x17: {  	s10 =	simm.s32 $0x2EF0;
	s23 =	sadd.s32 $0x2800, s0;
	[dreg:$0xc] =	wrdreg s0  }
0x18: {  	s16 =	simm.s32 $0x3E90;
	s24 =	sadd.s32 $0x5000, s0;
	[dreg:$0xd] =	wrdreg s23  }
0x19: {  	s17 =	simm.s32 $0x3EE0;
	s25 =	sadd.s32 $0x7800, s0;
	[dreg:$0xe] =	wrdreg s24  }
0x1a: {  	s14 =	sadd.s32 $0x27100, s14;
	s28 =	sadd.s32 $0xA000, s0;
	[dreg:$0xf] =	wrdreg s25  }
0x1b: {  	s3 =	simm.s32 $0x182D0;
	s29 =	sadd.s32 $0xC800, s0;
	[dreg:$0x11] =	wrdreg s28  }
0x1c: {  	s11 =	simm.s32 $0x50;
	s30 =	sadd.s32 $0xF000, s0;
	[dreg:$0x12] =	wrdreg s29  }
0x1d: {  	s5 =	simm.s32 $0x1A9E0;
	s0 =	sadd.s32 $0x11800, s0;
	[dreg:$0x13] =	wrdreg s30  }
0x1e: {  	v0 =	vimm.f32 $0.0e+00;
	s20 =	simm.s32 $0x0;
	[dreg:$0x14] =	wrdreg s0;
	s0 =	simm.s32 $0x1  }
.LBB2_1:
0x1f: {  	[tilespmem:$0x36C0] =	vst v0  }
0x20: {  	[tilespmem:$0x36D0] =	vst v0  }
0x21: {  	[tilespmem:$0x36E0] =	vst v0  }
0x22: {  	[tilespmem:$0x36F0] =	vst v0  }
0x23: {  	[tilespmem:$0x3700] =	vst v0  }
0x24: {  	[tilespmem:$0x3710] =	vst v0  }
0x25: {  	[tilespmem:$0x3720] =	vst v0  }
0x26: {  	[tilespmem:$0x3730] =	vst v0  }
0x27: {  	[tilespmem:$0x3740] =	vst v0  }
0x28: {  	[tilespmem:$0x3750] =	vst v0  }
0x29: {  	[tilespmem:$0x3760] =	vst v0  }
0x2a: {  	[tilespmem:$0x3770] =	vst v0  }
0x2b: {  	[tilespmem:$0x3780] =	vst v0  }
0x2c: {  	[tilespmem:$0x3790] =	vst v0  }
0x2d: {  	[tilespmem:$0x37A0] =	vst v0  }
0x2e: {  	[tilespmem:$0x37B0] =	vst v0  }
0x2f: {  	[tilespmem:$0x37C0] =	vst v0  }
0x30: {  	[tilespmem:$0x37D0] =	vst v0  }
0x31: {  	[tilespmem:$0x37E0] =	vst v0  }
0x32: {  	[tilespmem:$0x37F0] =	vst v0  }
0x33: {  	[tilespmem:$0x3800] =	vst v0  }
0x34: {  	[tilespmem:$0x3810] =	vst v0  }
0x35: {  	[tilespmem:$0x3820] =	vst v0  }
0x36: {  	[tilespmem:$0x3830] =	vst v0  }
0x37: {  	[tilespmem:$0x3840] =	vst v0  }
0x38: {  	[tilespmem:$0x3850] =	vst v0  }
0x39: {  	[tilespmem:$0x3860] =	vst v0  }
0x3a: {  	[tilespmem:$0x3870] =	vst v0  }
0x3b: {  	[tilespmem:$0x3880] =	vst v0  }
0x3c: {  	[tilespmem:$0x3890] =	vst v0  }
0x3d: {  	[tilespmem:$0x38A0] =	vst v0  }
0x3e: {  	[tilespmem:$0x38B0] =	vst v0  }
0x3f: {  	[tilespmem:$0x38C0] =	vst v0  }
0x40: {  	[tilespmem:$0x38D0] =	vst v0  }
0x41: {  	[tilespmem:$0x38E0] =	vst v0  }
0x42: {  	[tilespmem:$0x38F0] =	vst v0  }
0x43: {  	[tilespmem:$0x3900] =	vst v0  }
0x44: {  	[tilespmem:$0x3910] =	vst v0  }
0x45: {  	[tilespmem:$0x3920] =	vst v0  }
0x46: {  	[tilespmem:$0x3930] =	vst v0  }
0x47: {  	[spmem:s15] =	stream.linear.scatter [tilespmem:s31], [sflag:$0x1], $0x280, $0x38;
	[tilespmem:$0x1F800] =	vst v63  }
0x48: {  	_ =	swait.ge [sflag:s0], $0x280  }
0x49: {  	[sflag:s0] =	ssyncset.done $0x0  }
0x4a: {  	s21 =	simm.s32 $0x0;
	s22 =	rddreg [dreg:$0x6];
	[sflag:s0] =	ssyncadd.s32 $0xFFFFFD80  }
0x4b: {  	[tilespmem:s3], [sflag:$0x1] =	stream.linear.gather [hbm4b:s22+s21], $0x2710, $0x38;
	[tilespmem:$0x1F800] =	vst v63  }
0x4c: {  	_ =	swait.ge [sflag:s0], $0x2710  }
0x4d: {  	[sflag:s0] =	ssyncset.done $0x0  }
0x4e: {  	s30 =	rddreg [dreg:$0x7];
	[sflag:s0] =	ssyncadd.s32 $0xFFFFD8F0  }
0x4f: {  	[tilespmem:s5], [sflag:$0x1] =	stream.linear.gather [hbm4b:s30+s21], $0x2710, $0x38;
	[tilespmem:$0x1F800] =	vst v63  }
0x50: {  	_ =	swait.ge [sflag:s0], $0x2710  }
0x51: {  	[sflag:s0] =	ssyncset.done $0x0  }
0x52: {  	v1 =	vimm.f32 $-Inf;
	s23 =	simm.s32 $0x0;
	s22 =	simm.s32 $0x40;
	[sflag:s0] =	ssyncadd.s32 $0xFFFFD8F0  }
.LBB2_2:
0x53: {  	s24 =	smul.u32 $0x7D0, s23;
	_ =	sdelay $0x1  }
0x54: {  	s25 =	sadd.s32 s13, s24  }
0x55: {  	s24 =	smulhi.u32 $0xCCCCCCCD, s25;
	_ =	sdelay $0x1  }
0x56: {  	s24 =	sshrl.u32 s24, $0x6  }
0x57: {  	s24 =	smul.u32 $0x50, s24;
	_ =	sdelay $0x1  }
0x58: {  	s26 =	sshrl.u32 s24, $0x3  }
0x59: {  	s24 =	simm.s32 $0x0;
	s28 =	sadd.s32 s7, s26  }
0x5a: {  	[tilespmem:s6], [sflag:$0x1] =	stream.linear.gather [hbm4b:s28+s24], $0x7D0, $0x38;
	[tilespmem:$0x1F800] =	vst v63  }
0x5b: {  	_ =	swait.ge [sflag:s0], $0x7D0  }
0x5c: {  	[sflag:s0] =	ssyncset.done $0x0  }
0x5d: {  	s26 =	sadd.s32 s8, s26;
	[sflag:s0] =	ssyncadd.s32 $0xFFFFF830  }
0x5e: {  	[tilespmem:s10], [sflag:$0x1] =	stream.linear.gather [hbm4b:s26+s24], $0x7D0, $0x38;
	[tilespmem:$0x1F800] =	vst v63  }
0x5f: {  	_ =	swait.ge [sflag:s0], $0x7D0  }
0x60: {  	s25 =	sshrl.u32 s25, $0x3;
	[sflag:s0] =	ssyncset.done $0x0  }
0x61: {  	s25 =	sadd.s32 s9, s25;
	[sflag:s0] =	ssyncadd.s32 $0xFFFFF830  }
0x62: {  	[tilespmem:s31], [sflag:$0x1] =	stream.linear.gather [hbm4b:s25+s24], $0x7D0, $0x38;
	[tilespmem:$0x1F800] =	vst v63  }
0x63: {  	_ =	swait.ge [sflag:s0], $0x7D0  }
0x64: {  	[sflag:s0] =	ssyncset.done $0x0  }
0x65: {  	v2 =	vmov s22;
	[sflag:s0] =	ssyncadd.s32 $0xFFFFF830  }
.LBB2_3:
0x66: {  	s25 =	sshra.s32 s24, $0x2  }
0x67: {  	v3 =	vld [tilespmem:s25+$0x2720]  }
0x68: {  	v4 =	vld [tilespmem:s25+$0x2EF0];
	_ =	sdelay $0x6  }
0x69: {  	v3 =	vld.idx.msk [tilespmem:v3+s3+$0x0], $0xffff  }
0x6a: {  	v4 =	vld.idx.msk [tilespmem:v4+s5+$0x0], $0xffff;
	_ =	sdelay $0x1  }
0x6b: {  	v5 =	vld [tilespmem:s25+$0x36C0];
	_ =	sdelay $0x2  }
0x6c: {  	v3 =	vadd.f32 v4, v3;
	_ =	sdelay $0x1  }
0x6d: {  	v3 =	vadd.f32 v5, v3;
	_ =	sdelay $0x1  }
0x6e: {  	v52 =	vmul.f32 $9.999999770e-03, v3  }
0x6f: {  	vm0 =	vge.f32 v3, $0.0e+00  }
0x70: {  	v3 =	vsel vm0, v3, v52  }
0x71: {  	[tilespmem:v2+s25+$0xFFFFFFC0 ss:$0x1] =	vst.idx.msk $0xffff, v3  }
0x72: {  	v53 =	vld [tilespmem:s25+$0x2730]  }
0x73: {  	v54 =	vld [tilespmem:s25+$0x2F00];
	_ =	sdelay $0x6  }
0x74: {  	v4 =	vld.idx.msk [tilespmem:v53+s3+$0x0], $0xffff  }
0x75: {  	v5 =	vld.idx.msk [tilespmem:v54+s5+$0x0], $0xffff;
	_ =	sdelay $0x1  }
0x76: {  	v6 =	vld [tilespmem:s25+$0x36D0];
	_ =	sdelay $0x2  }
0x77: {  	v4 =	vadd.f32 v5, v4;
	_ =	sdelay $0x1  }
0x78: {  	v4 =	vadd.f32 v6, v4;
	_ =	sdelay $0x1  }
0x79: {  	v55 =	vmul.f32 $9.999999770e-03, v4  }
0x7a: {  	vm12 =	vge.f32 v4, $0.0e+00  }
0x7b: {  	v4 =	vsel vm12, v4, v55  }
0x7c: {  	[tilespmem:v2+s25+$0xFFFFFFD0 ss:$0x1] =	vst.idx.msk $0xffff, v4  }
0x7d: {  	v56 =	vld [tilespmem:s25+$0x2740]  }
0x7e: {  	v57 =	vld [tilespmem:s25+$0x2F10];
	_ =	sdelay $0x6  }
0x7f: {  	v5 =	vld.idx.msk [tilespmem:v56+s3+$0x0], $0xffff  }
0x80: {  	v6 =	vld.idx.msk [tilespmem:v57+s5+$0x0], $0xffff;
	_ =	sdelay $0x1  }
0x81: {  	v7 =	vld [tilespmem:s25+$0x36E0];
	_ =	sdelay $0x2  }
0x82: {  	v5 =	vadd.f32 v6, v5;
	_ =	sdelay $0x1  }
0x83: {  	v5 =	vadd.f32 v7, v5;
	_ =	sdelay $0x1  }
0x84: {  	v58 =	vmul.f32 $9.999999770e-03, v5  }
0x85: {  	vm13 =	vge.f32 v5, $0.0e+00  }
0x86: {  	v5 =	vsel vm13, v5, v58  }
0x87: {  	[tilespmem:v2+s25+$0xFFFFFFE0 ss:$0x1] =	vst.idx.msk $0xffff, v5  }
0x88: {  	v59 =	vld [tilespmem:s25+$0x2750]  }
0x89: {  	v60 =	vld [tilespmem:s25+$0x2F20];
	_ =	sdelay $0x6  }
0x8a: {  	v6 =	vld.idx.msk [tilespmem:v59+s3+$0x0], $0xffff  }
0x8b: {  	v7 =	vld.idx.msk [tilespmem:v60+s5+$0x0], $0xffff;
	_ =	sdelay $0x1  }
0x8c: {  	v8 =	vld [tilespmem:s25+$0x36F0];
	_ =	sdelay $0x2  }
0x8d: {  	v6 =	vadd.f32 v7, v6;
	_ =	sdelay $0x1  }
0x8e: {  	v6 =	vadd.f32 v8, v6;
	_ =	sdelay $0x1  }
0x8f: {  	v61 =	vmul.f32 $9.999999770e-03, v6  }
0x90: {  	vm14 =	vge.f32 v6, $0.0e+00  }
0x91: {  	v6 =	vsel vm14, v6, v61  }
0x92: {  	[tilespmem:v2+s25+$0xFFFFFFF0 ss:$0x1] =	vst.idx.msk $0xffff, v6  }
0x93: {  	v62 =	vld [tilespmem:s25+$0x2760]  }
0x94: {  	v63 =	vld [tilespmem:s25+$0x2F30];
	_ =	sdelay $0x6  }
0x95: {  	v7 =	vld.idx.msk [tilespmem:v62+s3+$0x0], $0xffff  }
0x96: {  	v8 =	vld.idx.msk [tilespmem:v63+s5+$0x0], $0xffff;
	_ =	sdelay $0x1  }
0x97: {  	v9 =	vld [tilespmem:s25+$0x3700];
	_ =	sdelay $0x2  }
0x98: {  	v7 =	vadd.f32 v8, v7;
	_ =	sdelay $0x1  }
0x99: {  	p0 =	sne.s32 s24, $0x1E00;
	v7 =	vadd.f32 v9, v7  }
.Ltmp0:
0x9a: {  	v1 =	vmax.f32 v1, v3;
	(pc) =	sbr.rel @p0 .LBB2_3-.Ltmp0, $4  }
0x9b: {  	v1 =	vmax.f32 v1, v4;
	v3 =	vmul.f32 $9.999999770e-03, v7  }
0x9c: {  	v1 =	vmax.f32 v1, v5;
	vm15 =	vge.f32 v7, $0.0e+00  }
0x9d: {  	v1 =	vmax.f32 v1, v6;
	v3 =	vsel vm15, v7, v3  }
0x9e: {  	s24 =	sadd.s32 $0x140, s24;
	[tilespmem:v2+s25+$0x0 ss:$0x1] =	vst.idx.msk $0xffff, v3;
	v1 =	vmax.f32 v1, v3  }
0x9f: {  	s23 =	sadd.s32 $0x1, s23  }
0xa0: {  	p0 =	sne.s32 s23, $0x5  }
.Ltmp1:
0xa1: {  	_ = 	snop;
	(pc) =	sbr.rel @p0 .LBB2_2-.Ltmp1, $2  }
0xa2: {  	_ =	sdelay $0x2  }
0xa3: {  	s22 =	sadd.s32 $0x7D0, s22  }
0xa4: {  	s22 =	simm.s32 $0x0;
	s23 =	simm.s32 $0x1D130;
	s24 =	simm.s32 $0x0  }
.LBB2_6:
0xa5: {  	s25 =	smul.u32 $0x7D0, s24;
	_ =	sdelay $0x1  }
0xa6: {  	s25 =	sadd.s32 s14, s25  }
0xa7: {  	s26 =	smulhi.u32 $0xCCCCCCCD, s25;
	_ =	sdelay $0x1  }
0xa8: {  	s26 =	sshrl.u32 s26, $0x6  }
0xa9: {  	s26 =	smul.u32 $0x50, s26;
	_ =	sdelay $0x1  }
0xaa: {  	s26 =	sshrl.u32 s26, $0x3  }
0xab: {  	s28 =	sadd.s32 s7, s26  }
0xac: {  	[tilespmem:s6], [sflag:$0x1] =	stream.linear.gather [hbm4b:s28+s22], $0x7D0, $0x38;
	[tilespmem:$0x1F800] =	vst v63  }
0xad: {  	_ =	swait.ge [sflag:s0], $0x7D0  }
0xae: {  	[sflag:s0] =	ssyncset.done $0x0  }
0xaf: {  	s26 =	sadd.s32 s8, s26;
	[sflag:s0] =	ssyncadd.s32 $0xFFFFF830  }
0xb0: {  	[tilespmem:s10], [sflag:$0x1] =	stream.linear.gather [hbm4b:s26+s22], $0x7D0, $0x38;
	[tilespmem:$0x1F800] =	vst v63  }
0xb1: {  	_ =	swait.ge [sflag:s0], $0x7D0  }
0xb2: {  	s25 =	sshrl.u32 s25, $0x3;
	[sflag:s0] =	ssyncset.done $0x0  }
0xb3: {  	s25 =	sadd.s32 s9, s25;
	[sflag:s0] =	ssyncadd.s32 $0xFFFFF830  }
0xb4: {  	[tilespmem:s31], [sflag:$0x1] =	stream.linear.gather [hbm4b:s25+s22], $0x7D0, $0x38;
	[tilespmem:$0x1F800] =	vst v63  }
0xb5: {  	_ =	swait.ge [sflag:s0], $0x7D0  }
0xb6: {  	[sflag:s0] =	ssyncset.done $0x0  }
0xb7: {  	v2 =	vmov s23;
	s25 =	simm.s32 $0x0;
	[sflag:s0] =	ssyncadd.s32 $0xFFFFF830  }
.LBB2_7:
0xb8: {  	s26 =	sshra.s32 s25, $0x2  }
0xb9: {  	v3 =	vld [tilespmem:s26+$0x2720]  }
0xba: {  	v4 =	vld [tilespmem:s26+$0x2EF0];
	_ =	sdelay $0x6  }
0xbb: {  	v3 =	vld.idx.msk [tilespmem:v3+s3+$0x0], $0xffff  }
0xbc: {  	v4 =	vld.idx.msk [tilespmem:v4+s5+$0x0], $0xffff;
	_ =	sdelay $0x1  }
0xbd: {  	v5 =	vld [tilespmem:s26+$0x36C0];
	_ =	sdelay $0x2  }
0xbe: {  	v3 =	vadd.f32 v4, v3;
	_ =	sdelay $0x1  }
0xbf: {  	v3 =	vadd.f32 v5, v3;
	_ =	sdelay $0x1  }
0xc0: {  	v52 =	vmul.f32 $9.999999770e-03, v3  }
0xc1: {  	vm0 =	vge.f32 v3, $0.0e+00  }
0xc2: {  	v3 =	vsel vm0, v3, v52  }
0xc3: {  	[tilespmem:v2+s26+$0xFFFFFFC0 ss:$0x1] =	vst.idx.msk $0xffff, v3  }
0xc4: {  	v53 =	vld [tilespmem:s26+$0x2730]  }
0xc5: {  	v54 =	vld [tilespmem:s26+$0x2F00];
	_ =	sdelay $0x6  }
0xc6: {  	v4 =	vld.idx.msk [tilespmem:v53+s3+$0x0], $0xffff  }
0xc7: {  	v5 =	vld.idx.msk [tilespmem:v54+s5+$0x0], $0xffff;
	_ =	sdelay $0x1  }
0xc8: {  	v6 =	vld [tilespmem:s26+$0x36D0];
	_ =	sdelay $0x2  }
0xc9: {  	v4 =	vadd.f32 v5, v4;
	_ =	sdelay $0x1  }
0xca: {  	v4 =	vadd.f32 v6, v4;
	_ =	sdelay $0x1  }
0xcb: {  	v55 =	vmul.f32 $9.999999770e-03, v4  }
0xcc: {  	vm12 =	vge.f32 v4, $0.0e+00  }
0xcd: {  	v4 =	vsel vm12, v4, v55  }
0xce: {  	[tilespmem:v2+s26+$0xFFFFFFD0 ss:$0x1] =	vst.idx.msk $0xffff, v4  }
0xcf: {  	v56 =	vld [tilespmem:s26+$0x2740]  }
0xd0: {  	v57 =	vld [tilespmem:s26+$0x2F10];
	_ =	sdelay $0x6  }
0xd1: {  	v5 =	vld.idx.msk [tilespmem:v56+s3+$0x0], $0xffff  }
0xd2: {  	v6 =	vld.idx.msk [tilespmem:v57+s5+$0x0], $0xffff;
	_ =	sdelay $0x1  }
0xd3: {  	v7 =	vld [tilespmem:s26+$0x36E0];
	_ =	sdelay $0x2  }
0xd4: {  	v5 =	vadd.f32 v6, v5;
	_ =	sdelay $0x1  }
0xd5: {  	v5 =	vadd.f32 v7, v5;
	_ =	sdelay $0x1  }
0xd6: {  	v58 =	vmul.f32 $9.999999770e-03, v5  }
0xd7: {  	vm13 =	vge.f32 v5, $0.0e+00  }
0xd8: {  	v5 =	vsel vm13, v5, v58  }
0xd9: {  	[tilespmem:v2+s26+$0xFFFFFFE0 ss:$0x1] =	vst.idx.msk $0xffff, v5  }
0xda: {  	v59 =	vld [tilespmem:s26+$0x2750]  }
0xdb: {  	v60 =	vld [tilespmem:s26+$0x2F20];
	_ =	sdelay $0x6  }
0xdc: {  	v6 =	vld.idx.msk [tilespmem:v59+s3+$0x0], $0xffff  }
0xdd: {  	v7 =	vld.idx.msk [tilespmem:v60+s5+$0x0], $0xffff;
	_ =	sdelay $0x1  }
0xde: {  	v8 =	vld [tilespmem:s26+$0x36F0];
	_ =	sdelay $0x2  }
0xdf: {  	v6 =	vadd.f32 v7, v6;
	_ =	sdelay $0x1  }
0xe0: {  	v6 =	vadd.f32 v8, v6;
	_ =	sdelay $0x1  }
0xe1: {  	v61 =	vmul.f32 $9.999999770e-03, v6  }
0xe2: {  	vm14 =	vge.f32 v6, $0.0e+00  }
0xe3: {  	v6 =	vsel vm14, v6, v61  }
0xe4: {  	[tilespmem:v2+s26+$0xFFFFFFF0 ss:$0x1] =	vst.idx.msk $0xffff, v6  }
0xe5: {  	v62 =	vld [tilespmem:s26+$0x2760]  }
0xe6: {  	v63 =	vld [tilespmem:s26+$0x2F30];
	_ =	sdelay $0x6  }
0xe7: {  	v7 =	vld.idx.msk [tilespmem:v62+s3+$0x0], $0xffff  }
0xe8: {  	v8 =	vld.idx.msk [tilespmem:v63+s5+$0x0], $0xffff;
	_ =	sdelay $0x1  }
0xe9: {  	v9 =	vld [tilespmem:s26+$0x3700];
	_ =	sdelay $0x2  }
0xea: {  	v7 =	vadd.f32 v8, v7;
	_ =	sdelay $0x1  }
0xeb: {  	p0 =	sne.s32 s25, $0x1E00;
	v7 =	vadd.f32 v9, v7  }
.Ltmp2:
0xec: {  	v1 =	vmax.f32 v1, v3;
	(pc) =	sbr.rel @p0 .LBB2_7-.Ltmp2, $4  }
0xed: {  	v1 =	vmax.f32 v1, v4;
	v3 =	vmul.f32 $9.999999770e-03, v7  }
0xee: {  	v1 =	vmax.f32 v1, v5;
	vm15 =	vge.f32 v7, $0.0e+00  }
0xef: {  	v1 =	vmax.f32 v1, v6;
	v3 =	vsel vm15, v7, v3  }
0xf0: {  	s25 =	sadd.s32 $0x140, s25;
	[tilespmem:v2+s26+$0x0 ss:$0x1] =	vst.idx.msk $0xffff, v3;
	v1 =	vmax.f32 v1, v3  }
0xf1: {  	s24 =	sadd.s32 $0x1, s24  }
0xf2: {  	p0 =	sne.s32 s24, $0x5  }
.Ltmp3:
0xf3: {  	_ = 	snop;
	(pc) =	sbr.rel @p0 .LBB2_6-.Ltmp3, $2  }
0xf4: {  	_ =	sdelay $0x2  }
0xf5: {  	s23 =	sadd.s32 $0x7D0, s23  }
0xf6: {  	[tilespmem:$0x3F30] =	vst v1;
	s21 =	rddreg [dreg:$0x8];
	s22 =	simm.s32 $0x3F30  }
0xf7: {  	[spmem:s21] =	stream.linear.scatter [tilespmem:s22], [sflag:$0x1], $0x10, $0x38;
	[tilespmem:$0x1F800] =	vst v63  }
0xf8: {  	_ =	swait.ge [sflag:s0], $0x10  }
0xf9: {  	[sflag:s0] =	ssyncset.done $0x0  }
0xfa: {  	[sflag:s0] =	ssyncadd.s32 $0xFFFFFFF0  }
0xfb: {  	[bflag:$0x0] =	sbarrier.arrive $0xFFFF  }
0xfc: {  	s30 =	simm.s32 $0x3F40;
	s29 =	rddreg [dreg:$0x3]  }
0xfd: {  	[tilespmem:s30], [sflag:$0x1] =	stream.linear.gather [spmem:s29], $0x100, $0x38;
	[tilespmem:$0x1F800] =	vst v63  }
0xfe: {  	_ =	swait.ge [sflag:s0], $0x100  }
0xff: {  	[sflag:s0] =	ssyncset.done $0x0  }
0x100: {  	[sflag:s0] =	ssyncadd.s32 $0xFFFFFF00  }
0x101: {  	v1 =	vld [tilespmem:$0x3F40]  }
0x102: {  	v2 =	vld [tilespmem:$0x3F50]  }
0x103: {  	v3 =	vld [tilespmem:$0x3F60]  }
0x104: {  	v4 =	vld [tilespmem:$0x3F70]  }
0x105: {  	v5 =	vld [tilespmem:$0x3F80]  }
0x106: {  	v6 =	vld [tilespmem:$0x3F90]  }
0x107: {  	v1 =	vmax.f32 v1, v2;
	v2 =	vld [tilespmem:$0x3FA0]  }
0x108: {  	v1 =	vmax.f32 v1, v3;
	v3 =	vld [tilespmem:$0x3FB0]  }
0x109: {  	v58 =	vld [tilespmem:$0x3FC0];
	v1 =	vmax.f32 v1, v4  }
0x10a: {  	v59 =	vld [tilespmem:$0x3FD0];
	v1 =	vmax.f32 v1, v5  }
0x10b: {  	v60 =	vld [tilespmem:$0x3FE0];
	v1 =	vmax.f32 v1, v6  }
0x10c: {  	v1 =	vmax.f32 v1, v2;
	v2 =	vld [tilespmem:$0x3FF0]  }
0x10d: {  	v1 =	vmax.f32 v1, v3;
	v3 =	vld [tilespmem:$0x4000]  }
0x10e: {  	v61 =	vld [tilespmem:$0x4010];
	v1 =	vmax.f32 v1, v58  }
0x10f: {  	v62 =	vld [tilespmem:$0x4020];
	v1 =	vmax.f32 v1, v59  }
0x110: {  	v63 =	vld [tilespmem:$0x4030];
	v1 =	vmax.f32 v1, v60  }
0x111: {  	v1 =	vmax.f32 v1, v2  }
0x112: {  	v1 =	vmax.f32 v1, v3  }
0x113: {  	v1 =	vmax.f32 v1, v61  }
0x114: {  	v1 =	vmax.f32 v1, v62  }
0x115: {  	v1 =	vmax.f32 v1, v63  }
0x116: {  	(xrf0) =	vmax.scan.msk.f32 $0xffff, v1;
	_ =	sdelay $0x5  }
0x117: {  	v1, _, _ =	vpop (xrf0)  }
0x118: {  	s23 =	simm.s32 $0x0;
	s24 =	simm.s32 $0x0;
	s22 =	simm.s32 $0x0;
	v1 =	vbroadcast v1, $0xF  }
.LBB2_10:
0x119: {  	s25 =	smul.u32 $0x7D0, s24;
	_ =	sdelay $0x1  }
0x11a: {  	s25 =	sadd.s32 s13, s25  }
0x11b: {  	s25 =	smulhi.u32 $0xCCCCCCCD, s25;
	_ =	sdelay $0x1  }
0x11c: {  	s25 =	sshrl.u32 s25, $0x6  }
0x11d: {  	s25 =	smul.u32 $0x50, s25;
	_ =	sdelay $0x1  }
0x11e: {  	s25 =	sshrl.u32 s25, $0x3  }
0x11f: {  	v2 =	vmov s23;
	s25 =	sadd.s32 s8, s25  }
0x120: {  	[tilespmem:s10], [sflag:$0x1] =	stream.linear.gather [hbm4b:s25+s22], $0x7D0, $0x38;
	[tilespmem:$0x1F800] =	vst v63  }
0x121: {  	_ =	swait.ge [sflag:s0], $0x7D0  }
0x122: {  	[sflag:s0] =	ssyncset.done $0x0  }
0x123: {  	s26 =	simm.s32 $0x40;
	s25 =	simm.s32 $0x0;
	[sflag:s0] =	ssyncadd.s32 $0xFFFFF830  }
.LBB2_11:
0x124: {  	p0 =	sne.s32 s26, $0x1F00;
	v3 =	vld.idx.msk [tilespmem:v2+s25+$0x0 ss:$0x1], $0xffff;
	_ =	sdelay $0x5  }
0x125: {  	v3 =	vsub.f32 v3, v1;
	_ =	sdelay $0x1  }
0x126: {  	v3 =	vmul.f32 $1.442695020e+00, v3;
	_ =	sdelay $0x1  }
0x127: {  	(erf) = vpow2.f32 v3;
	_ =	sdelay $0x5  }
.Ltmp4:
0x128: {  	(pc) =	sbr.rel @p0 .LBB2_11-.Ltmp4, $3  }
0x129: {  	_ =	sdelay $0x1  }
0x12a: {  	v3 =	vpop (erf)  }
0x12b: {  	[tilespmem:v2+s25+$0x0 ss:$0x1] =	vst.idx.msk $0xffff, v3;
	s25 =	sshra.s32 s26, $0x2;
	s26 =	sadd.s32 $0x40, s26  }
0x12c: {  	_ =	sdelay $0x3  }
0x12d: {  	v3 =	vld.idx.msk [tilespmem:v2+s25+$0x0 ss:$0x1], $0xffff;
	_ =	sdelay $0x4  }
0x12e: {  	v3 =	vsub.f32 v3, v1;
	_ =	sdelay $0x1  }
0x12f: {  	v3 =	vmul.f32 $1.442695020e+00, v3;
	_ =	sdelay $0x1  }
0x130: {  	(erf) = vpow2.f32 v3;
	_ =	sdelay $0x8  }
0x131: {  	v3 =	vpop (erf)  }
0x132: {  	s30 =	sadd.s32 $0x0, s23;
	s26 =	simm.s32 $0x2EF0;
	[tilespmem:v2+s25+$0x0 ss:$0x1] =	vst.idx.msk $0xffff, v3  }
0x133: {  	[spmem:s2] =	stream.indirect.scatter.add.f32 [tilespmem:s30], [sflag:$0x1], $0x1, s26, s11, $0xb8;
	[tilespmem:$0x1F800] =	vst v63  }
0x134: {  	s25 =	simm.s32 $0x140;
	_ =	swait.ge [sflag:s0], $0x50  }
.LBB2_13:
0x135: {  	s26 =	sshra.s32 s25, $0x2  }
0x136: {  	[sflag:s0] =	ssyncset.done $0x0;
	p0 =	sne.s32 s25, $0x1E00;
	s28 =	sadd.s32 s26, s23  }
.Ltmp5:
0x137: {  	s26 =	sadd.s32 $0x2EF0, s26;
	[sflag:s0] =	ssyncadd.s32 $0xFFFFFFB0;
	(pc) =	sbr.rel @p0 .LBB2_13-.Ltmp5, $3  }
0x138: {  	[spmem:s2] =	stream.indirect.scatter.add.f32 [tilespmem:s28], [sflag:$0x1], $0x1, s26, s11, $0xb8;
	[tilespmem:$0x1F800] =	vst v63  }
0x139: {  	s25 =	sadd.s32 $0x140, s25;
	_ =	sdelay $0x1  }
0x13a: {  	_ =	swait.ge [sflag:s0], $0x50  }
0x13b: {  	s24 =	sadd.s32 $0x1, s24  }
0x13c: {  	p0 =	sne.s32 s24, $0x5  }
.Ltmp6:
0x13d: {  	_ = 	snop;
	(pc) =	sbr.rel @p0 .LBB2_10-.Ltmp6, $3  }
0x13e: {  	_ =	sdelay $0x1  }
0x13f: {  	[sflag:s0] =	ssyncset.done $0x0  }
0x140: {  	s23 =	sadd.s32 $0x7D0, s23;
	[sflag:s0] =	ssyncadd.s32 $0xFFFFFFB0  }
0x141: {  	s22 =	simm.s32 $0x0;
	s23 =	simm.s32 $0x1D0F0;
	s24 =	simm.s32 $0x0  }
.LBB2_16:
0x142: {  	s25 =	smul.u32 $0x7D0, s24;
	_ =	sdelay $0x1  }
0x143: {  	s25 =	sadd.s32 s14, s25  }
0x144: {  	s25 =	smulhi.u32 $0xCCCCCCCD, s25;
	_ =	sdelay $0x1  }
0x145: {  	s25 =	sshrl.u32 s25, $0x6  }
0x146: {  	s25 =	smul.u32 $0x50, s25;
	_ =	sdelay $0x1  }
0x147: {  	s25 =	sshrl.u32 s25, $0x3  }
0x148: {  	v2 =	vmov s23;
	s25 =	sadd.s32 s8, s25  }
0x149: {  	[tilespmem:s10], [sflag:$0x1] =	stream.linear.gather [hbm4b:s25+s22], $0x7D0, $0x38;
	[tilespmem:$0x1F800] =	vst v63  }
0x14a: {  	_ =	swait.ge [sflag:s0], $0x7D0  }
0x14b: {  	[sflag:s0] =	ssyncset.done $0x0  }
0x14c: {  	s26 =	simm.s32 $0x40;
	s25 =	simm.s32 $0x0;
	[sflag:s0] =	ssyncadd.s32 $0xFFFFF830  }
.LBB2_17:
0x14d: {  	p0 =	sne.s32 s26, $0x1F00;
	v3 =	vld.idx.msk [tilespmem:v2+s25+$0x0 ss:$0x1], $0xffff;
	_ =	sdelay $0x5  }
0x14e: {  	v3 =	vsub.f32 v3, v1;
	_ =	sdelay $0x1  }
0x14f: {  	v3 =	vmul.f32 $1.442695020e+00, v3;
	_ =	sdelay $0x1  }
0x150: {  	(erf) = vpow2.f32 v3;
	_ =	sdelay $0x5  }
.Ltmp7:
0x151: {  	(pc) =	sbr.rel @p0 .LBB2_17-.Ltmp7, $3  }
0x152: {  	_ =	sdelay $0x1  }
0x153: {  	v3 =	vpop (erf)  }
0x154: {  	[tilespmem:v2+s25+$0x0 ss:$0x1] =	vst.idx.msk $0xffff, v3;
	s25 =	sshra.s32 s26, $0x2;
	s26 =	sadd.s32 $0x40, s26  }
0x155: {  	_ =	sdelay $0x3  }
0x156: {  	v3 =	vld.idx.msk [tilespmem:v2+s25+$0x0 ss:$0x1], $0xffff;
	_ =	sdelay $0x4  }
0x157: {  	v3 =	vsub.f32 v3, v1;
	_ =	sdelay $0x1  }
0x158: {  	v3 =	vmul.f32 $1.442695020e+00, v3;
	_ =	sdelay $0x1  }
0x159: {  	(erf) = vpow2.f32 v3;
	_ =	sdelay $0x8  }
0x15a: {  	v3 =	vpop (erf)  }
0x15b: {  	s30 =	sadd.s32 $0x0, s23;
	s26 =	simm.s32 $0x2EF0;
	[tilespmem:v2+s25+$0x0 ss:$0x1] =	vst.idx.msk $0xffff, v3  }
0x15c: {  	[spmem:s2] =	stream.indirect.scatter.add.f32 [tilespmem:s30], [sflag:$0x1], $0x1, s26, s11, $0xb8;
	[tilespmem:$0x1F800] =	vst v63  }
0x15d: {  	s25 =	simm.s32 $0x140;
	_ =	swait.ge [sflag:s0], $0x50  }
.LBB2_19:
0x15e: {  	s26 =	sshra.s32 s25, $0x2  }
0x15f: {  	[sflag:s0] =	ssyncset.done $0x0;
	p0 =	sne.s32 s25, $0x1E00;
	s28 =	sadd.s32 s26, s23  }
.Ltmp8:
0x160: {  	s26 =	sadd.s32 $0x2EF0, s26;
	[sflag:s0] =	ssyncadd.s32 $0xFFFFFFB0;
	(pc) =	sbr.rel @p0 .LBB2_19-.Ltmp8, $3  }
0x161: {  	[spmem:s2] =	stream.indirect.scatter.add.f32 [tilespmem:s28], [sflag:$0x1], $0x1, s26, s11, $0xb8;
	[tilespmem:$0x1F800] =	vst v63  }
0x162: {  	s25 =	sadd.s32 $0x140, s25;
	_ =	sdelay $0x1  }
0x163: {  	_ =	swait.ge [sflag:s0], $0x50  }
0x164: {  	s24 =	sadd.s32 $0x1, s24  }
0x165: {  	p0 =	sne.s32 s24, $0x5  }
.Ltmp9:
0x166: {  	_ = 	snop;
	(pc) =	sbr.rel @p0 .LBB2_16-.Ltmp9, $3  }
0x167: {  	_ =	sdelay $0x1  }
0x168: {  	[sflag:s0] =	ssyncset.done $0x0  }
0x169: {  	s23 =	sadd.s32 $0x7D0, s23;
	[sflag:s0] =	ssyncadd.s32 $0xFFFFFFB0  }
0x16a: {  	[bflag:$0x0] =	sbarrier.arrive $0xFFFF  }
0x16b: {  	[tilespmem:s3], [sflag:$0x1] =	stream.linear.gather [spmem:s2], $0x2800, $0x38;
	[tilespmem:$0x1F800] =	vst v63  }
0x16c: {  	_ =	swait.ge [sflag:s0], $0x2800  }
0x16d: {  	[sflag:s0] =	ssyncset.done $0x0  }
0x16e: {  	s22 =	simm.s32 $0x0;
	s23 =	simm.s32 $0x40;
	[sflag:s0] =	ssyncadd.s32 $0xFFFFD800  }
.LBB2_22:
0x16f: {  	p0 =	sne.s32 s23, $0x9FC0;
	v1 =	vld [tilespmem:s22+$0x182D0];
	_ =	sdelay $0x4  }
0x170: {  	(erf) = vrcp.f32 v1;
	_ =	sdelay $0x6  }
.Ltmp10:
0x171: {  	(pc) =	sbr.rel @p0 .LBB2_22-.Ltmp10, $4  }
0x172: {  	_ = 	snop  }
0x173: {  	vm0 =	vgt.f32 v1, $0.0e+00;
	v1 =	vpop (erf)  }
0x174: {  	v1 =	vnsel vm0, $0x3F800000, v1  }
0x175: {  	[tilespmem:s22+$0x182D0] =	vst v1;
	s22 =	sshra.s32 s23, $0x2;
	s23 =	sadd.s32 $0x40, s23  }
0x176: {  	v1 =	vld [tilespmem:s22+$0x182D0];
	_ =	sdelay $0x4  }
0x177: {  	(erf) = vrcp.f32 v1;
	_ =	sdelay $0x8  }
0x178: {  	s21 =	stileid.u32;
	vm0 =	vgt.f32 v1, $0.0e+00;
	v1 =	vpop (erf)  }
0x179: {  	s23 =	sshll.u32 s21, $0x6;
	v1 =	vnsel vm0, $0x3F800000, v1  }
0x17a: {  	s29 =	sshrl.u32 s15, $0x3;
	s30 =	rddreg [dreg:$0x9];
	[tilespmem:s22+$0x182D0] =	vst v1;
	s22 =	sor.u32 $0x1C01, s23  }
0x17b: {  	[hbm:s30], [sflag:s22] =	dma.local [spmem:s29], $0x50  }
0x17c: {  	_ =	swait.ge [sflag:s0], $0x50  }
0x17d: {  	s24 =	simm.s32 $0x20;
	[sflag:s0] =	ssyncset.done $0x0  }
0x17e: {  	s25 =	simm.s32 $0x0;
	s23 =	simm.s32 $0x0;
	[sflag:s0] =	ssyncadd.s32 $0xFFFFFFB0  }
.LBB2_24:
0x17f: {  	s26 =	smul.u32 $0x7D0, s25;
	_ =	sdelay $0x1  }
0x180: {  	s26 =	sadd.s32 s13, s26  }
0x181: {  	s26 =	smulhi.u32 $0xCCCCCCCD, s26;
	_ =	sdelay $0x1  }
0x182: {  	s26 =	sshrl.u32 s26, $0x6  }
0x183: {  	s26 =	smul.u32 $0x50, s26;
	_ =	sdelay $0x1  }
0x184: {  	s26 =	sshrl.u32 s26, $0x3  }
0x185: {  	s26 =	sadd.s32 s8, s26  }
0x186: {  	[tilespmem:s10], [sflag:$0x1] =	stream.linear.gather [hbm4b:s26+s23], $0x7D0, $0x38;
	[tilespmem:$0x1F800] =	vst v63  }
0x187: {  	_ =	swait.ge [sflag:s0], $0x7D0  }
0x188: {  	[sflag:s0] =	ssyncset.done $0x0  }
0x189: {  	v1 =	vmov s24;
	s26 =	simm.s32 $0x0;
	[sflag:s0] =	ssyncadd.s32 $0xFFFFF830  }
.LBB2_25:
0x18a: {  	s28 =	sshra.s32 s26, $0x2  }
0x18b: {  	v2 =	vld [tilespmem:s28+$0x2EF0];
	_ =	sdelay $0x6  }
0x18c: {  	v3 =	vld.idx.msk [tilespmem:v1+s28+$0xFFFFFFE0 ss:$0x1], $0xffff  }
0x18d: {  	v2 =	vld.idx.msk [tilespmem:v2+s3+$0x0], $0xffff;
	_ =	sdelay $0x4  }
0x18e: {  	v2 =	vmul.f32 v3, v2;
	_ =	sdelay $0x1  }
0x18f: {  	[tilespmem:v1+s28+$0xFFFFFFE0 ss:$0x1] =	vst.idx.msk $0xffff, v2  }
0x190: {  	v2 =	vld [tilespmem:s28+$0x2F00];
	_ =	sdelay $0x6  }
0x191: {  	v3 =	vld.idx.msk [tilespmem:v1+s28+$0xFFFFFFF0 ss:$0x1], $0xffff  }
0x192: {  	v2 =	vld.idx.msk [tilespmem:v2+s3+$0x0], $0xffff;
	_ =	sdelay $0x4  }
0x193: {  	v2 =	vmul.f32 v3, v2;
	_ =	sdelay $0x1  }
0x194: {  	[tilespmem:v1+s28+$0xFFFFFFF0 ss:$0x1] =	vst.idx.msk $0xffff, v2  }
0x195: {  	v2 =	vld [tilespmem:s28+$0x2F10];
	_ =	sdelay $0x6  }
0x196: {  	v3 =	vld.idx.msk [tilespmem:v1+s28+$0x0 ss:$0x1], $0xffff  }
0x197: {  	v2 =	vld.idx.msk [tilespmem:v2+s3+$0x0], $0xffff;
	_ =	sdelay $0x4  }
0x198: {  	v2 =	vmul.f32 v3, v2;
	_ =	sdelay $0x1  }
0x199: {  	[tilespmem:v1+s28+$0x0 ss:$0x1] =	vst.idx.msk $0xffff, v2  }
0x19a: {  	v2 =	vld [tilespmem:s28+$0x2F20];
	_ =	sdelay $0x6  }
0x19b: {  	v3 =	vld.idx.msk [tilespmem:v1+s28+$0x10 ss:$0x1], $0xffff  }
0x19c: {  	v2 =	vld.idx.msk [tilespmem:v2+s3+$0x0], $0xffff;
	_ =	sdelay $0x4  }
0x19d: {  	v2 =	vmul.f32 v3, v2;
	_ =	sdelay $0x1  }
0x19e: {  	[tilespmem:v1+s28+$0x10 ss:$0x1] =	vst.idx.msk $0xffff, v2  }
0x19f: {  	v2 =	vld [tilespmem:s28+$0x2F30];
	_ =	sdelay $0x6  }
0x1a0: {  	v3 =	vld.idx.msk [tilespmem:v1+s28+$0x20 ss:$0x1], $0xffff  }
0x1a1: {  	v2 =	vld.idx.msk [tilespmem:v2+s3+$0x0], $0xffff;
	_ =	sdelay $0x1  }
0x1a2: {  	p0 =	sne.s32 s26, $0x1E00  }
.Ltmp11:
0x1a3: {  	_ = 	snop;
	(pc) =	sbr.rel @p0 .LBB2_25-.Ltmp11, $3  }
0x1a4: {  	_ = 	snop  }
0x1a5: {  	v2 =	vmul.f32 v3, v2;
	_ =	sdelay $0x1  }
0x1a6: {  	s26 =	sadd.s32 $0x140, s26;
	[tilespmem:v1+s28+$0x20 ss:$0x1] =	vst.idx.msk $0xffff, v2  }
0x1a7: {  	s25 =	sadd.s32 $0x1, s25  }
0x1a8: {  	p0 =	sne.s32 s25, $0x5  }
.Ltmp12:
0x1a9: {  	_ = 	snop;
	(pc) =	sbr.rel @p0 .LBB2_24-.Ltmp12, $2  }
0x1aa: {  	_ =	sdelay $0x2  }
0x1ab: {  	s24 =	sadd.s32 $0x7D0, s24  }
0x1ac: {  	s23 =	simm.s32 $0x0;
	s24 =	simm.s32 $0x200  }
.LBB2_28:
0x1ad: {  	p0 =	sne.s32 s24, $0x9E00;
	[tilespmem:s23+$0x18340] =	vst v0  }
0x1ae: {  	[tilespmem:s23+$0x182D0] =	vst v0  }
0x1af: {  	[tilespmem:s23+$0x182E0] =	vst v0  }
.Ltmp13:
0x1b0: {  	[tilespmem:s23+$0x182F0] =	vst v0;
	(pc) =	sbr.rel @p0 .LBB2_28-.Ltmp13, $4  }
0x1b1: {  	[tilespmem:s23+$0x18300] =	vst v0  }
0x1b2: {  	[tilespmem:s23+$0x18310] =	vst v0  }
0x1b3: {  	[tilespmem:s23+$0x18320] =	vst v0  }
0x1b4: {  	[tilespmem:s23+$0x18330] =	vst v0;
	s23 =	sshra.s32 s24, $0x2;
	s24 =	sadd.s32 $0x200, s24  }
0x1b5: {  	[tilespmem:s23+$0x18340] =	vst v0  }
0x1b6: {  	[tilespmem:s23+$0x182D0] =	vst v0  }
0x1b7: {  	[tilespmem:s23+$0x182E0] =	vst v0  }
0x1b8: {  	[tilespmem:s23+$0x182F0] =	vst v0  }
0x1b9: {  	[tilespmem:s23+$0x18300] =	vst v0  }
0x1ba: {  	[tilespmem:s23+$0x18310] =	vst v0  }
0x1bb: {  	[tilespmem:s23+$0x18320] =	vst v0  }
0x1bc: {  	[tilespmem:s23+$0x18330] =	vst v0;
	s21 =	rddreg [dreg:$0xc]  }
0x1bd: {  	[spmem:s21] =	stream.linear.scatter [tilespmem:s3], [sflag:$0x1], $0x2800, $0x38;
	[tilespmem:$0x1F800] =	vst v63  }
0x1be: {  	_ =	swait.ge [sflag:s0], $0x2800  }
0x1bf: {  	[sflag:s0] =	ssyncset.done $0x0  }
0x1c0: {  	s30 =	rddreg [dreg:$0xd];
	[sflag:s0] =	ssyncadd.s32 $0xFFFFD800  }
0x1c1: {  	[spmem:s30] =	stream.linear.scatter [tilespmem:s3], [sflag:$0x1], $0x2800, $0x38;
	[tilespmem:$0x1F800] =	vst v63  }
0x1c2: {  	_ =	swait.ge [sflag:s0], $0x2800  }
0x1c3: {  	[sflag:s0] =	ssyncset.done $0x0  }
0x1c4: {  	s23 =	rddreg [dreg:$0xe];
	[sflag:s0] =	ssyncadd.s32 $0xFFFFD800  }
0x1c5: {  	[spmem:s23] =	stream.linear.scatter [tilespmem:s3], [sflag:$0x1], $0x2800, $0x38;
	[tilespmem:$0x1F800] =	vst v63  }
0x1c6: {  	_ =	swait.ge [sflag:s0], $0x2800  }
0x1c7: {  	[sflag:s0] =	ssyncset.done $0x0  }
0x1c8: {  	s24 =	rddreg [dreg:$0xf];
	[sflag:s0] =	ssyncadd.s32 $0xFFFFD800  }
0x1c9: {  	[spmem:s24] =	stream.linear.scatter [tilespmem:s3], [sflag:$0x1], $0x2800, $0x38;
	[tilespmem:$0x1F800] =	vst v63  }
0x1ca: {  	_ =	swait.ge [sflag:s0], $0x2800  }
0x1cb: {  	[sflag:s0] =	ssyncset.done $0x0  }
0x1cc: {  	s25 =	rddreg [dreg:$0x11];
	[sflag:s0] =	ssyncadd.s32 $0xFFFFD800  }
0x1cd: {  	[spmem:s25] =	stream.linear.scatter [tilespmem:s3], [sflag:$0x1], $0x2800, $0x38;
	[tilespmem:$0x1F800] =	vst v63  }
0x1ce: {  	_ =	swait.ge [sflag:s0], $0x2800  }
0x1cf: {  	[sflag:s0] =	ssyncset.done $0x0  }
0x1d0: {  	s26 =	rddreg [dreg:$0x12];
	[sflag:s0] =	ssyncadd.s32 $0xFFFFD800  }
0x1d1: {  	[spmem:s26] =	stream.linear.scatter [tilespmem:s3], [sflag:$0x1], $0x2800, $0x38;
	[tilespmem:$0x1F800] =	vst v63  }
0x1d2: {  	_ =	swait.ge [sflag:s0], $0x2800  }
0x1d3: {  	[sflag:s0] =	ssyncset.done $0x0  }
0x1d4: {  	s29 =	rddreg [dreg:$0x13];
	[sflag:s0] =	ssyncadd.s32 $0xFFFFD800  }
0x1d5: {  	[spmem:s29] =	stream.linear.scatter [tilespmem:s3], [sflag:$0x1], $0x2800, $0x38;
	[tilespmem:$0x1F800] =	vst v63  }
0x1d6: {  	_ =	swait.ge [sflag:s0], $0x2800  }
0x1d7: {  	[sflag:s0] =	ssyncset.done $0x0  }
0x1d8: {  	s30 =	rddreg [dreg:$0x14];
	[sflag:s0] =	ssyncadd.s32 $0xFFFFD800  }
0x1d9: {  	[spmem:s30] =	stream.linear.scatter [tilespmem:s3], [sflag:$0x1], $0x2800, $0x38;
	[tilespmem:$0x1F800] =	vst v63  }
0x1da: {  	_ =	swait.ge [sflag:s0], $0x2800  }
0x1db: {  	[sflag:s0] =	ssyncset.done $0x0  }
0x1dc: {  	s28 =	simm.s32 $0x0;
	[sflag:s0] =	ssyncadd.s32 $0xFFFFD800  }
0x1dd: {  	s23 =	simm.s32 $0x0;
	s25 =	simm.s32 $0x0;
	[bflag:$0x0] =	sbarrier.arrive $0xFFFF  }
.LBB2_30:
0x1de: {  	s24 =	sadd.s32 s18, s25  }
0x1df: {  	s24 =	smul.u32 $0xA, s24;
	_ =	sdelay $0x1  }
0x1e0: {  	s26 =	sadd.s32 s7, s24  }
0x1e1: {  	[tilespmem:s16], [sflag:$0x1] =	stream.linear.gather [hbm4b:s26+s23], $0x50, $0x38;
	[tilespmem:$0x1F800] =	vst v63  }
0x1e2: {  	_ =	swait.ge [sflag:s0], $0x50  }
0x1e3: {  	[sflag:s0] =	ssyncset.done $0x0  }
0x1e4: {  	s21 =	smul.u32 $0x50, s25;
	s24 =	sadd.s32 s8, s24;
	[sflag:s0] =	ssyncadd.s32 $0xFFFFFFB0  }
0x1e5: {  	[tilespmem:s17], [sflag:$0x1] =	stream.linear.gather [hbm4b:s24+s23], $0x50, $0x38;
	[tilespmem:$0x1F800] =	vst v63  }
0x1e6: {  	s30 =	sadd.s32 s13, s21;
	_ =	swait.ge [sflag:s0], $0x50  }
0x1e7: {  	s24 =	sshll.u32 s30, $0x4;
	[sflag:s0] =	ssyncset.done $0x0  }
0x1e8: {  	s24 =	sadd.s32 s12, s24;
	[sflag:s0] =	ssyncadd.s32 $0xFFFFFFB0  }
0x1e9: {  	[tilespmem:s19], [sflag:$0x1] =	stream.linear.gather [hbm4b:s24+s23], $0x2800, $0x38;
	[tilespmem:$0x1F800] =	vst v63  }
0x1ea: {  	_ =	swait.ge [sflag:s0], $0x2800  }
0x1eb: {  	[sflag:s0] =	ssyncset.done $0x0  }
0x1ec: {  	[sflag:s0] =	ssyncadd.s32 $0xFFFFD800  }
0x1ed: {  	[tilespmem:s3], [sflag:$0x1] =	stream.indirect.gather [hbm4b:s1+s11], $0x80, s16, s11, $0xb8;
	[tilespmem:$0x1F800] =	vst v63  }
0x1ee: {  	_ =	swait.ge [sflag:s0], $0x2800  }
0x1ef: {  	[sflag:s0] =	ssyncset.done $0x0  }
0x1f0: {  	s26 =	simm.s32 $0x0;
	[sflag:s0] =	ssyncadd.s32 $0xFFFFD800  }
0x1f1: {  	v2 =	vld [tilespmem:s26+$0x18320]  }
0x1f2: {  	v5 =	vld [tilespmem:s26+$0x18340]  }
0x1f3: {  	v11 =	vld [tilespmem:s26+$0x182E0]  }
0x1f4: {  	v12 =	vld [tilespmem:s26+$0x18330]  }
0x1f5: {  	v1 =	vld [tilespmem:s26+$0x182F0]  }
0x1f6: {  	v3 =	vld [tilespmem:s26+$0x18310]  }
0x1f7: {  	v4 =	vld [tilespmem:s26+$0x182D0]  }
0x1f8: {  	v9 =	vld [tilespmem:s26+$0x1AB40]  }
0x1f9: {  	v14 =	vld [tilespmem:s26+$0x1AAE0]  }
0x1fa: {  	v15 =	vld [tilespmem:s26+$0x1AB30]  }
0x1fb: {  	v8 =	vld [tilespmem:s26+$0x1AAD0]  }
0x1fc: {  	v6 =	vld [tilespmem:s26+$0x18300]  }
0x1fd: {  	v7 =	vld [tilespmem:s26+$0x1AAF0]  }
0x1fe: {  	v13 =	vld [tilespmem:s26+$0x1AB00]  }
0x1ff: {  	v10 =	vld [tilespmem:s26+$0x1AB10];
	v9 =	vadd.f32 v9, v5  }
0x200: {  	s29 =	simm.s32 $0x200;
	s24 =	smov.u32 s28;
	v11 =	vadd.f32 v14, v11;
	v12 =	vadd.f32 v15, v12;
	v5 =	vld.msk [tilespmem:s28+$0x0 ss:$0x0], $0xffff  }
.LBB2_31:
0x201: {  	s21 =	smov.u32 s29  }
0x202: {  	s30 =	sshra.s32 s29, $0x2;
	v14 =	vld [tilespmem:s26+$0x1AB20];
	s24 =	sadd.s32 $0x1, s24;
	s21 =	sadd.s32 $0x200, s29  }
0x203: {  	p0 =	sne.s32 s29, $0x9E00;
	v15 =	vld [tilespmem:s30+$0x18320]  }
0x204: {  	v6 =	vadd.f32 v13, v6;
	v16 =	vld [tilespmem:s30+$0x18340]  }
0x205: {  	v8 =	vadd.f32 v8, v4;
	v10 =	vadd.f32 v10, v3;
	v13 =	vld [tilespmem:s30+$0x182E0]  }
0x206: {  	v4 =	vadd.f32 v7, v1;
	v17 =	vld [tilespmem:s30+$0x18330]  }
0x207: {  	v7 =	vmul.f32 v11, v5;
	v9 =	vmul.f32 v9, v5;
	v11 =	vadd.f32 v14, v2;
	v1 =	vld [tilespmem:s30+$0x182F0]  }
0x208: {  	v12 =	vmul.f32 v12, v5;
	v14 =	vmul.f32 v4, v5;
	v3 =	vld [tilespmem:s30+$0x18310];
	v2 =	vmov v15  }
0x209: {  	v8 =	vmul.f32 v8, v5;
	v15 =	vmul.f32 v6, v5;
	v4 =	vld [tilespmem:s30+$0x182D0];
	[tilespmem:s26+$0x1AB40] =	vst v9  }
0x20a: {  	v10 =	vmul.f32 v10, v5;
	v5 =	vmul.f32 v11, v5;
	v9 =	vld [tilespmem:s30+$0x1AB40];
	[tilespmem:s26+$0x1AAE0] =	vst v7  }
0x20b: {  	v11 =	vld [tilespmem:s30+$0x1AAE0];
	[tilespmem:s26+$0x1AB30] =	vst v12  }
0x20c: {  	v12 =	vld [tilespmem:s30+$0x1AB30];
	[tilespmem:s26+$0x1AAD0] =	vst v8  }
0x20d: {  	v8 =	vld [tilespmem:s30+$0x1AAD0];
	[tilespmem:s26+$0x1AB20] =	vst v5  }
.Ltmp14:
0x20e: {  	v6 =	vld [tilespmem:s30+$0x18300];
	[tilespmem:s26+$0x1AAF0] =	vst v14;
	(pc) =	sbr.rel @p0 .LBB2_31-.Ltmp14, $4  }
0x20f: {  	v7 =	vld [tilespmem:s30+$0x1AAF0];
	v9 =	vadd.f32 v9, v16;
	[tilespmem:s26+$0x1AB00] =	vst v15  }
0x210: {  	v11 =	vadd.f32 v11, v13;
	v13 =	vld [tilespmem:s30+$0x1AB00];
	[tilespmem:s26+$0x1AB10] =	vst v10;
	s26 =	smov.u32 s30  }
0x211: {  	v10 =	vld [tilespmem:s26+$0x1AB10];
	v12 =	vadd.f32 v12, v17  }
0x212: {  	s29 =	smov.u32 s21;
	v5 =	vld.msk [tilespmem:s24+$0x0 ss:$0x0], $0xffff  }
0x213: {  	_ =	sdelay $0x1  }
0x214: {  	v14 =	vld [tilespmem:s26+$0x1AB20];
	_ =	sdelay $0x1  }
0x215: {  	v9 =	vmul.f32 v9, v5  }
0x216: {  	v4 =	vadd.f32 v8, v4;
	v61 =	vmul.f32 v11, v5  }
0x217: {  	v1 =	vadd.f32 v7, v1;
	v62 =	vmul.f32 v12, v5;
	[tilespmem:s26+$0x1AB40] =	vst v9  }
0x218: {  	v4 =	vmul.f32 v4, v5;
	v2 =	vadd.f32 v14, v2;
	[tilespmem:s26+$0x1AAE0] =	vst v61  }
0x219: {  	v6 =	vadd.f32 v13, v6;
	v1 =	vmul.f32 v1, v5;
	[tilespmem:s26+$0x1AB30] =	vst v62  }
0x21a: {  	v3 =	vadd.f32 v10, v3;
	[tilespmem:s26+$0x1AAD0] =	vst v4;
	v2 =	vmul.f32 v2, v5  }
0x21b: {  	v63 =	vmul.f32 v6, v5;
	[tilespmem:s26+$0x1AAF0] =	vst v1  }
0x21c: {  	s25 =	sadd.s32 $0x1, s25;
	[tilespmem:s26+$0x1AB20] =	vst v2;
	v2 =	vmul.f32 v3, v5  }
0x21d: {  	p0 =	sne.s32 s25, $0x7D;
	[tilespmem:s26+$0x1AB00] =	vst v63  }
.Ltmp15:
0x21e: {  	[tilespmem:s26+$0x1AB10] =	vst v2;
	(pc) =	sbr.rel @p0 .LBB2_30-.Ltmp15, $4  }
0x21f: {  	[spmem:s4] =	stream.indirect.scatter.add.f32 [tilespmem:s19], [sflag:$0x1], $0x80, s17, s11, $0xb8;
	[tilespmem:$0x1F800] =	vst v63  }
0x220: {  	_ =	swait.ge [sflag:s0], $0x2800  }
0x221: {  	[sflag:s0] =	ssyncset.done $0x0  }
0x222: {  	s28 =	sadd.s32 $0x50, s28;
	[sflag:s0] =	ssyncadd.s32 $0xFFFFD800  }
0x223: {  	[bflag:$0x0] =	sbarrier.arrive $0xFFFF  }
0x224: {  	s21 =	rddreg [dreg:$0xa]  }
0x225: {  	s23 =	rddreg [dreg:$0x10]  }
0x226: {  	[hbm:s21], [sflag:s22] =	dma.local [spmem:s23], $0x2800  }
0x227: {  	_ =	swait.ge [sflag:s0], $0x2800  }
0x228: {  	s20 =	sadd.s32 $0x1, s20;
	s30 =	rddreg [dreg:$0xb]  }
0x229: {  	p0 =	sne.s32 s20, s30  }
.Ltmp16:
0x22a: {  	_ = 	snop;
	(pc) =	sbr.rel @p0 .LBB2_1-.Ltmp16, $3  }
0x22b: {  	_ =	sdelay $0x1  }
0x22c: {  	[sflag:s0] =	ssyncset.done $0x0  }
0x22d: {  	[sflag:s0] =	ssyncadd.s32 $0xFFFFD800  }
0x22e: {  	_ =	sfence.sel $0x180000  }
0x22f: {  	[bflag:$0x0] =	sbarrier.arrive $0xFFFF  }
0x230: {  	_ =	strace $0x90000047  }
0x231: {  	s0 =	stileid.u32;
	[bflag:$0x2] =	sbarrier.arrive $0xFFFF  }
0x232: {  	p0 =	sne.s32 s0, $0x0;
	s0 =	rddreg [dreg:$0x5]  }
0x233: {  	s0 =	sadd.s32 @!p0 $0x100000, s0  }
0x234: {  	[sflag:s0] =	ssyncadd.tile.s32 @!p0 $0x1;
	_ =	shalt  }
.Lfunc_end2:
_tile_overlayer_lowered:
.L_overlay_start_2:
0x235: {  	(tag) =	ssettag $0x2  }
0x236: {  	s0 =	rddreg [dreg:$0x0];
	s2 =	stileid.u32  }
0x237: {  	s1 =	rddreg [dreg:$0x1];
	p0 =	sne.s32 s2, $0x0  }
0x238: {  	s3 =	rddreg [dreg:$0x2];
	[bflag:$0x3] =	sbarrier.arrive $0xFFFF;
	s2 =	simm.s32 @!p0 $0x1C01  }
0x239: {  	[timem:s3], [sflag:s2] =	dma.local @!p0 [hbm:s0], s1  }
0x23a: {  	s0 =	simm.s32 @!p0 $0x1  }
0x23b: {  	_ =	swait.ge @!p0 [sflag:s0], s1  }
0x23c: {  	s1 =	ssub.s32 @!p0 $0x0, s1;
	[sflag:s0] =	ssyncset.done @!p0 $0x0  }
0x23d: {  	[sflag:s0] =	ssyncadd.s32 @!p0 s1  }
0x23e: {  	[bflag:$0x3] =	sbarrier.arrive $0xFFFF  }
0x23f: {  	_ =	shalt  }

</sc_bundles>
